<compile_context>
chip_gen: v7x
topology: tpu7x:2x2x1
jax: 0.10.2.dev20260603
libtpu: 0.0.44.dev20260713+nightly
codegen_flags: <defaults>
</compile_context>

<pallas_src>
import functools
import math

import jax
import jax.numpy as jnp
from jax import lax
from jax.experimental import pallas as pl
from jax.experimental.pallas import tpu as pltpu
from jax.experimental.pallas import tpu_sc as plsc

N_ATOM_BASIS = 256
N_FILTERS = 256
N_GAUSSIANS = 50
N_INTERACTIONS = 3
CUTOFF = 5.0
MAX_Z = 100
B, NA, NBH = 8, 512, 64

TA = 32
ET = TA * NBH
NT = NA // TA
NGP = 64

E = B * NA * NBH
NW = 32
EPW = E // NW
APW = (B * NA) // NW

_WIDTH = CUTOFF / (N_GAUSSIANS - 1)
_COEFF = -0.5 / (_WIDTH * _WIDTH)
_LOG2 = math.log(2.0)

_COS_COEF = [(-1.0) ** k * math.pi ** (2 * k) / math.factorial(2 * k)
             for k in range(9)]


def _sc_distances(px, py, pz, nbr_g, msk, pxi, pyi, pzi):
    mesh = plsc.VectorSubcoreMesh(core_axis_name="c", subcore_axis_name="s")

    @functools.partial(
        pl.kernel, mesh=mesh,
        out_type=[jax.ShapeDtypeStruct((E,), jnp.float32),
                  jax.ShapeDtypeStruct((E,), jnp.float32)],
        scratch_types=[
            pltpu.VMEM((EPW,), jnp.int32),
            pltpu.VMEM((EPW,), jnp.float32),
            pltpu.VMEM((EPW,), jnp.float32),
            pltpu.VMEM((EPW,), jnp.float32),
            pltpu.VMEM((EPW,), jnp.float32),
            pltpu.VMEM((EPW,), jnp.float32),
            pltpu.VMEM((EPW,), jnp.float32),
            pltpu.VMEM((EPW,), jnp.float32),
            pltpu.VMEM((EPW,), jnp.float32),
            pltpu.VMEM((EPW,), jnp.float32),
            pltpu.SemaphoreType.DMA,
            pltpu.SemaphoreType.DMA,
            pltpu.SemaphoreType.DMA,
            pltpu.SemaphoreType.DMA,
        ])
    def body(px_hbm, py_hbm, pz_hbm, nbr_hbm, msk_hbm,
             xi_hbm, yi_hbm, zi_hbm, r_hbm, cm_hbm,
             idx_v, xj_v, yj_v, zj_v, mk_v, xi_v, yi_v, zi_v,
             r_v, cm_v, s0, s1, s2, s3):
        wid = lax.axis_index("s") * 2 + lax.axis_index("c")
        ebase = wid * EPW

        pltpu.sync_copy(nbr_hbm.at[pl.ds(ebase, EPW)], idx_v)
        pltpu.sync_copy(xi_hbm.at[pl.ds(ebase, EPW)], xi_v)
        pltpu.sync_copy(yi_hbm.at[pl.ds(ebase, EPW)], yi_v)
        pltpu.sync_copy(zi_hbm.at[pl.ds(ebase, EPW)], zi_v)
        pltpu.sync_copy(msk_hbm.at[pl.ds(ebase, EPW)], mk_v)

        pltpu.async_copy(px_hbm.at[idx_v], xj_v, s0).wait()
        pltpu.async_copy(py_hbm.at[idx_v], yj_v, s1).wait()
        pltpu.async_copy(pz_hbm.at[idx_v], zj_v, s2).wait()
        del s3

        def edge_body(i, carry):
            s = pl.ds(i * 16, 16)
            dx = xj_v[s] - xi_v[s]
            dy = yj_v[s] - yi_v[s]
            dz = zj_v[s] - zi_v[s]
            d2 = dx * dx + dy * dy + dz * dz
            seed = lax.bitcast_convert_type(
                0x5F3759DF - lax.shift_right_logical(
                    lax.bitcast_convert_type(d2, jnp.int32), 1),
                jnp.float32)
            for _ in range(3):
                seed = seed * (1.5 - 0.5 * d2 * seed * seed)
            r = d2 * seed
            good = (d2 > 0.0) & (mk_v[s] != 0.0)
            r = jnp.where(good, r, 0.0)
            u = r * (1.0 / CUTOFF)
            t = u * u
            c = jnp.full((16,), _COS_COEF[8], jnp.float32)
            for k in range(7, -1, -1):
                c = c * t + _COS_COEF[k]
            cut = jnp.where(r < CUTOFF, 0.5 * (c + 1.0), 0.0)
            r_v[s] = r
            cm_v[s] = cut * mk_v[s]
            return carry
        lax.fori_loop(0, EPW // 16, edge_body, 0, unroll=4)

        pltpu.sync_copy(r_v, r_hbm.at[pl.ds(ebase, EPW)])
        pltpu.sync_copy(cm_v, cm_hbm.at[pl.ds(ebase, EPW)])

    return body(px, py, pz, nbr_g, msk, pxi, pyi, pzi)


def _prologue_body(r_ref, nf_ref, wemb_ref, bemb_ref, offs_ref,
                   ones_col_ref, x0_ref, f_ref):
    t = pl.program_id(1)

    @pl.when(t == 0)
    def _():
        x0_ref[0] = jnp.dot(nf_ref[0], wemb_ref[...],
                            preferred_element_type=jnp.float32) + bemb_ref[...]

    rb = jnp.dot(r_ref[0], jnp.ones((1, NGP), jnp.float32),
                 preferred_element_type=jnp.float32)
    f = jnp.exp(_COEFF * (rb - offs_ref[...]) ** 2)
    f_ref[0] = f + ones_col_ref[...]


def _interaction_body(x_ref, f_ref, cm_ref, nbr_ref, iota_ref, seg_ref,
                      fw1_ref, fw2_ref, fb2_ref, in2f_ref,
                      f2w_ref, f2b_ref, dw_ref, db_ref,
                      out_ref, y_ref):
    t = pl.program_id(1)

    @pl.when(t == 0)
    def _():
        y_ref[...] = jnp.dot(x_ref[0], in2f_ref[...],
                             preferred_element_type=jnp.float32
                             ).astype(jnp.bfloat16)

    h = jax.nn.softplus(jnp.dot(f_ref[0], fw1_ref[...],
                                preferred_element_type=jnp.float32))
    w = jnp.dot(h, fw2_ref[...],
                preferred_element_type=jnp.float32) + fb2_ref[...]

    onehot = (nbr_ref[0] == iota_ref[...]).astype(jnp.bfloat16)
    yj = jnp.dot(onehot, y_ref[...],
                 preferred_element_type=jnp.float32)

    seg_w = seg_ref[...] * cm_ref[0]
    z = jnp.dot(seg_w, yj * w,
                preferred_element_type=jnp.float32)

    v = jax.nn.softplus(jnp.dot(z, f2w_ref[...],
                                preferred_element_type=jnp.float32)
                        + f2b_ref[...]) - _LOG2
    v = jnp.dot(v, dw_ref[...],
                preferred_element_type=jnp.float32) + db_ref[...]
    out_ref[0] = x_ref[0, pl.ds(t * TA, TA), :] + v


def _edge_spec(n=1):
    return pl.BlockSpec((1, ET, n), lambda b, t: (b * NT + t, 0, 0))


def _row_spec():
    return pl.BlockSpec((1, 1, ET), lambda b, t: (b * NT + t, 0, 0))


def _const_spec(shape):
    nd = len(shape)
    return pl.BlockSpec(shape, lambda b, t: (0,) * nd)


@jax.jit
def kernel(node_features, positions, neighbors, neighbor_mask, atom_mask,
           params):
    del atom_mask
    nbr_col = neighbors.astype(jnp.int32).reshape(B * NT, ET, 1)
    nbr_glob = (neighbors.astype(jnp.int32)
                + jnp.arange(B, dtype=jnp.int32)[:, None, None] * NA
                ).reshape(E)
    msk_flat = neighbor_mask.reshape(E)
    px = positions[:, :, 0].reshape(B * NA)
    py = positions[:, :, 1].reshape(B * NA)
    pz = positions[:, :, 2].reshape(B * NA)
    pos_i = jnp.broadcast_to(positions[:, :, None, :],
                             (B, NA, NBH, 3)).reshape(E, 3)
    pxi, pyi, pzi = pos_i[:, 0], pos_i[:, 1], pos_i[:, 2]

    r_flat, cm_flat = _sc_distances(px, py, pz, nbr_glob, msk_flat,
                                    pxi, pyi, pzi)
    r_col = r_flat.reshape(B * NT, ET, 1)
    cm_row = cm_flat.reshape(B * NT, 1, ET)

    iota_row = jnp.arange(NA, dtype=jnp.int32).reshape(1, NA)
    e_atom = jnp.arange(ET, dtype=jnp.int32) // NBH
    seg = jax.nn.one_hot(e_atom, TA, dtype=jnp.float32).T
    offs = jnp.where(jnp.arange(NGP) < N_GAUSSIANS,
                     jnp.arange(NGP, dtype=jnp.float32) * _WIDTH,
                     1e6).astype(jnp.float32).reshape(1, NGP)
    ones_col = (jnp.arange(NGP) == NGP - 1
                ).astype(jnp.float32).reshape(1, NGP)

    grid = (B, NT)
    x0, f = pl.pallas_call(
        _prologue_body,
        grid=grid,
        in_specs=[
            _edge_spec(),
            pl.BlockSpec((1, NA, MAX_Z), lambda b, t: (b, 0, 0)),
            _const_spec((MAX_Z, N_ATOM_BASIS)),
            _const_spec((1, N_ATOM_BASIS)),
            _const_spec((1, NGP)),
            _const_spec((1, NGP)),
        ],
        out_specs=[
            pl.BlockSpec((1, NA, N_ATOM_BASIS), lambda b, t: (b, 0, 0)),
            _edge_spec(NGP),
        ],
        out_shape=[
            jax.ShapeDtypeStruct((B, NA, N_ATOM_BASIS), jnp.float32),
            jax.ShapeDtypeStruct((B * NT, ET, NGP), jnp.float32),
        ],
    )(r_col, node_features,
      params['W_emb'], params['b_emb'].reshape(1, N_ATOM_BASIS),
      offs, ones_col)

    x = x0
    for l in range(N_INTERACTIONS):
        fw1 = jnp.zeros((NGP, N_FILTERS), jnp.float32
                        ).at[:N_GAUSSIANS].set(params['fW1_%d' % l]
                        ).at[NGP - 1].set(params['fb1_%d' % l])
        fb2 = (params['fb2_%d' % l]
               - _LOG2 * jnp.sum(params['fW2_%d' % l], axis=0)
               ).reshape(1, N_FILTERS)
        x = pl.pallas_call(
            _interaction_body,
            grid=grid,
            in_specs=[
                pl.BlockSpec((1, NA, N_ATOM_BASIS), lambda b, t: (b, 0, 0)),
                _edge_spec(NGP),
                _row_spec(),
                _edge_spec(),
                _const_spec((1, NA)),
                _const_spec((TA, ET)),
                _const_spec((NGP, N_FILTERS)),
                _const_spec((N_FILTERS, N_FILTERS)),
                _const_spec((1, N_FILTERS)),
                _const_spec((N_ATOM_BASIS, N_FILTERS)),
                _const_spec((N_FILTERS, N_ATOM_BASIS)),
                _const_spec((1, N_ATOM_BASIS)),
                _const_spec((N_ATOM_BASIS, N_ATOM_BASIS)),
                _const_spec((1, N_ATOM_BASIS)),
            ],
            out_specs=pl.BlockSpec((1, TA, N_ATOM_BASIS),
                                   lambda b, t: (b, t, 0)),
            out_shape=jax.ShapeDtypeStruct((B, NA, N_ATOM_BASIS),
                                           jnp.float32),
            scratch_shapes=[pltpu.VMEM((NA, N_FILTERS), jnp.bfloat16)],
        )(x, f, cm_row, nbr_col, iota_row, seg,
          fw1, params['fW2_%d' % l], fb2,
          params['in2f_%d' % l],
          params['f2out_W_%d' % l],
          params['f2out_b_%d' % l].reshape(1, N_ATOM_BASIS),
          params['dense_W_%d' % l],
          params['dense_b_%d' % l].reshape(1, N_ATOM_BASIS))
    return x

# --- scband reference (transcript-rebuilt; emitter-appended) ---
"""Pipeline reference for scband-sch-net-21835613733026 (READ-ONLY COPY).

The authoritative reference and input builder live on the scoring server;
editing this copy changes nothing except your own understanding.
"""

import jax, jax.numpy as jnp
import numpy as np

N_ATOM_BASIS = 256
N_FILTERS = 256
N_GAUSSIANS = 50
N_INTERACTIONS = 3
CUTOFF = 5.0
MAX_Z = 100
B, NA, NBH = 8, 512, 64


def _ssp(x):
    # shifted softplus: ln(0.5*e^x + 0.5) = softplus(x) - ln(2)
    return jax.nn.softplus(x) - jnp.log(2.0)


def setup_inputs(seed: int = 0):
    key = jax.random.key(seed)
    ks = jax.random.split(key, 40)
    node_features = jax.random.normal(ks[0], (B, NA, MAX_Z), dtype=jnp.float32)
    positions = jax.random.normal(ks[1], (B, NA, 3), dtype=jnp.float32) * 3.0
    neighbors = jax.random.randint(ks[2], (B, NA, NBH), 0, NA)
    neighbor_mask = jnp.ones((B, NA, NBH), dtype=jnp.float32)
    atom_mask = jnp.ones((B, NA), dtype=jnp.float32)

    def init(k, shape, fan_in):
        return jax.random.normal(k, shape, dtype=jnp.float32) / np.sqrt(fan_in)

    params = {}
    params['W_emb'] = init(ks[3], (MAX_Z, N_ATOM_BASIS), MAX_Z)
    params['b_emb'] = jnp.zeros((N_ATOM_BASIS,), dtype=jnp.float32)
    ki = 4
    for l in range(N_INTERACTIONS):
        params['fW1_%d' % l] = init(ks[ki], (N_GAUSSIANS, N_FILTERS), N_GAUSSIANS); ki += 1
        params['fb1_%d' % l] = jnp.zeros((N_FILTERS,), jnp.float32)
        params['fW2_%d' % l] = init(ks[ki], (N_FILTERS, N_FILTERS), N_FILTERS); ki += 1
        params['fb2_%d' % l] = jnp.zeros((N_FILTERS,), jnp.float32)
        params['in2f_%d' % l] = init(ks[ki], (N_ATOM_BASIS, N_FILTERS), N_ATOM_BASIS); ki += 1
        params['f2out_W_%d' % l] = init(ks[ki], (N_FILTERS, N_ATOM_BASIS), N_FILTERS); ki += 1
        params['f2out_b_%d' % l] = jnp.zeros((N_ATOM_BASIS,), jnp.float32)
        params['dense_W_%d' % l] = init(ks[ki], (N_ATOM_BASIS, N_ATOM_BASIS), N_ATOM_BASIS); ki += 1
        params['dense_b_%d' % l] = jnp.zeros((N_ATOM_BASIS,), jnp.float32)
    return {'node_features': node_features, 'positions': positions,
            'neighbors': neighbors, 'neighbor_mask': neighbor_mask,
            'atom_mask': atom_mask, 'params': params}


def _atom_distances(positions, neighbors, neighbor_mask):
    nbh = neighbors.reshape(neighbors.shape[0], -1, 1)  # [B, NA*NBH, 1]
    pos_j = jnp.take_along_axis(positions, nbh, axis=1)  # [B, NA*NBH, 3]
    pos_j = pos_j.reshape(neighbors.shape + (3,))
    dist_vec = pos_j - positions[:, :, None, :]
    d2 = jnp.sum(dist_vec * dist_vec, axis=-1)
    safe = jnp.where(d2 > 0, d2, 1.0)
    distances = jnp.where(d2 > 0, jnp.sqrt(safe), 0.0)
    distances = jnp.where(neighbor_mask != 0, distances, 0.0)
    return distances


def _gaussian_smearing(r_ij):
    offsets = jnp.linspace(0.0, CUTOFF, N_GAUSSIANS)
    width = offsets[1] - offsets[0]
    coeff = -0.5 / (width ** 2)
    diff = r_ij[..., None] - offsets
    return jnp.exp(coeff * diff ** 2)


def _cosine_cutoff(r):
    c = 0.5 * (jnp.cos(r * jnp.pi / CUTOFF) + 1.0)
    return c * (r < CUTOFF).astype(r.dtype)


def _cfconv(x, r_ij, neighbors, neighbor_mask, f_ij, p, l):
    # filter-generating network (per-edge MLP)
    W = _ssp(f_ij @ p['fW1_%d' % l] + p['fb1_%d' % l])
    W = W @ p['fW2_%d' % l] + p['fb2_%d' % l]
    C = _cosine_cutoff(r_ij)
    W = W * C[..., None]
    y = x @ p['in2f_%d' % l]  # in2f: no bias, no activation
    nbh = neighbors.reshape(neighbors.shape[0], -1, 1)
    y_j = jnp.take_along_axis(y, nbh, axis=1)
    y_j = y_j.reshape(neighbors.shape + (y.shape[-1],))
    y_j = y_j * W
    y_agg = jnp.sum(y_j * neighbor_mask[..., None], axis=2)  # sum aggregation
    return _ssp(y_agg @ p['f2out_W_%d' % l] + p['f2out_b_%d' % l])


def reference(node_features, positions, neighbors, neighbor_mask, atom_mask, params):
    x = node_features @ params['W_emb'] + params['b_emb']
    r_ij = _atom_distances(positions, neighbors, neighbor_mask)
    f_ij = _gaussian_smearing(r_ij)
    for l in range(N_INTERACTIONS):
        v = _cfconv(x, r_ij, neighbors, neighbor_mask, f_ij, params, l)
        v = v @ params['dense_W_%d' % l] + params['dense_b_%d' % l]
        x = x + v
    return x

if __name__ == "__main__":
    import jax
    _d = setup_inputs()
    print(jax.jit(kernel)(*tuple(_d.values())))

</pallas_src>

<mosaic_0001>
#map = affine_map<(d0, d1) -> (0)>
module attributes {stable_mosaic.version = 14 : i64} {
  func.func @body(%arg0: i32, %arg1: i32, %arg2: memref<4096xf32, #tpu.memory_space<hbm>>, %arg3: memref<4096xf32, #tpu.memory_space<hbm>>, %arg4: memref<4096xf32, #tpu.memory_space<hbm>>, %arg5: memref<262144xi32, #tpu.memory_space<hbm>>, %arg6: memref<262144xf32, #tpu.memory_space<hbm>>, %arg7: memref<262144xf32, #tpu.memory_space<hbm>>, %arg8: memref<262144xf32, #tpu.memory_space<hbm>>, %arg9: memref<262144xf32, #tpu.memory_space<hbm>>, %arg10: memref<262144xf32, #tpu.memory_space<hbm>>, %arg11: memref<262144xf32, #tpu.memory_space<hbm>>, %arg12: memref<8192xi32, #tpu.memory_space<vmem>>, %arg13: memref<8192xf32, #tpu.memory_space<vmem>>, %arg14: memref<8192xf32, #tpu.memory_space<vmem>>, %arg15: memref<8192xf32, #tpu.memory_space<vmem>>, %arg16: memref<8192xf32, #tpu.memory_space<vmem>>, %arg17: memref<8192xf32, #tpu.memory_space<vmem>>, %arg18: memref<8192xf32, #tpu.memory_space<vmem>>, %arg19: memref<8192xf32, #tpu.memory_space<vmem>>, %arg20: memref<8192xf32, #tpu.memory_space<vmem>>, %arg21: memref<8192xf32, #tpu.memory_space<vmem>>, %arg22: memref<!tpu.dma_semaphore, #tpu.memory_space<semaphore_mem>>, %arg23: memref<!tpu.dma_semaphore, #tpu.memory_space<semaphore_mem>>, %arg24: memref<!tpu.dma_semaphore, #tpu.memory_space<semaphore_mem>>, %arg25: memref<!tpu.dma_semaphore, #tpu.memory_space<semaphore_mem>>) attributes {dimension_semantics = [#tpu.dimension_semantics<core_parallel>, #tpu.dimension_semantics<subcore_parallel>], iteration_bounds = array<i64: 2, 16>, scalar_prefetch = 0 : i64, scratch_operands = 14 : i64, tpu.core_type = #tpu.core_type<sc_vector_subcore>, window_params = [{transform_indices = #map}, {transform_indices = #map}, {transform_indices = #map}, {transform_indices = #map}, {transform_indices = #map}, {transform_indices = #map}, {transform_indices = #map}, {transform_indices = #map}, {transform_indices = #map}, {transform_indices = #map}]} {
    %mul3A = arith.constant 2 : i32
    %mul3A_0 = arith.muli %arg1, %mul3A : i32
    %add3A = arith.addi %mul3A_0, %arg0 : i32
    %mul3A_1 = arith.constant 8192 : i32
    %mul3A_2 = arith.muli %add3A, %mul3A_1 : i32
    "tpu.region"() ({
      %run_scoped3A = tpu.sem_alloc : memref<!tpu.dma_semaphore, #tpu.memory_space<semaphore_mem>>
      %dma_start3A_18 = tpu.memref_slice %arg5[%mul3A_2] : memref<262144xi32, #tpu.memory_space<hbm>> -> memref<8192xi32, #tpu.memory_space<hbm>>
      %dma_start3A_19 = tpu.memref_slice %arg5[%mul3A_2] : memref<262144xi32, #tpu.memory_space<hbm>> -> memref<8192xi32, #tpu.memory_space<hbm>>
      tpu.enqueue_dma source(%dma_start3A_19 : memref<8192xi32, #tpu.memory_space<hbm>>) target(%arg12 : memref<8192xi32, #tpu.memory_space<vmem>>) target_semaphore(%run_scoped3A : memref<!tpu.dma_semaphore, #tpu.memory_space<semaphore_mem>>)
      %dma_wait3A_20 = tpu.memref_slice %arg5[%mul3A_2] : memref<262144xi32, #tpu.memory_space<hbm>> -> memref<8192xi32, #tpu.memory_space<hbm>>
      %dma_wait3A_21 = tpu.memref_slice %arg5[%mul3A_2] : memref<262144xi32, #tpu.memory_space<hbm>> -> memref<8192xi32, #tpu.memory_space<hbm>>
      tpu.wait_dma2 semaphore(%run_scoped3A : memref<!tpu.dma_semaphore, #tpu.memory_space<semaphore_mem>>) src(%dma_wait3A_21 : memref<8192xi32, #tpu.memory_space<hbm>>) dst(%arg12 : memref<8192xi32, #tpu.memory_space<vmem>>)
      tpu.yield
    }) : () -> ()
    "tpu.region"() ({
      %run_scoped3A = tpu.sem_alloc : memref<!tpu.dma_semaphore, #tpu.memory_space<semaphore_mem>>
      %dma_start3A_18 = tpu.memref_slice %arg7[%mul3A_2] : memref<262144xf32, #tpu.memory_space<hbm>> -> memref<8192xf32, #tpu.memory_space<hbm>>
      %dma_start3A_19 = tpu.memref_slice %arg7[%mul3A_2] : memref<262144xf32, #tpu.memory_space<hbm>> -> memref<8192xf32, #tpu.memory_space<hbm>>
      tpu.enqueue_dma source(%dma_start3A_19 : memref<8192xf32, #tpu.memory_space<hbm>>) target(%arg17 : memref<8192xf32, #tpu.memory_space<vmem>>) target_semaphore(%run_scoped3A : memref<!tpu.dma_semaphore, #tpu.memory_space<semaphore_mem>>)
      %dma_wait3A_20 = tpu.memref_slice %arg7[%mul3A_2] : memref<262144xf32, #tpu.memory_space<hbm>> -> memref<8192xf32, #tpu.memory_space<hbm>>
      %dma_wait3A_21 = tpu.memref_slice %arg7[%mul3A_2] : memref<262144xf32, #tpu.memory_space<hbm>> -> memref<8192xf32, #tpu.memory_space<hbm>>
      tpu.wait_dma2 semaphore(%run_scoped3A : memref<!tpu.dma_semaphore, #tpu.memory_space<semaphore_mem>>) src(%dma_wait3A_21 : memref<8192xf32, #tpu.memory_space<hbm>>) dst(%arg17 : memref<8192xf32, #tpu.memory_space<vmem>>)
      tpu.yield
    }) : () -> ()
    "tpu.region"() ({
      %run_scoped3A = tpu.sem_alloc : memref<!tpu.dma_semaphore, #tpu.memory_space<semaphore_mem>>
      %dma_start3A_18 = tpu.memref_slice %arg8[%mul3A_2] : memref<262144xf32, #tpu.memory_space<hbm>> -> memref<8192xf32, #tpu.memory_space<hbm>>
      %dma_start3A_19 = tpu.memref_slice %arg8[%mul3A_2] : memref<262144xf32, #tpu.memory_space<hbm>> -> memref<8192xf32, #tpu.memory_space<hbm>>
      tpu.enqueue_dma source(%dma_start3A_19 : memref<8192xf32, #tpu.memory_space<hbm>>) target(%arg18 : memref<8192xf32, #tpu.memory_space<vmem>>) target_semaphore(%run_scoped3A : memref<!tpu.dma_semaphore, #tpu.memory_space<semaphore_mem>>)
      %dma_wait3A_20 = tpu.memref_slice %arg8[%mul3A_2] : memref<262144xf32, #tpu.memory_space<hbm>> -> memref<8192xf32, #tpu.memory_space<hbm>>
      %dma_wait3A_21 = tpu.memref_slice %arg8[%mul3A_2] : memref<262144xf32, #tpu.memory_space<hbm>> -> memref<8192xf32, #tpu.memory_space<hbm>>
      tpu.wait_dma2 semaphore(%run_scoped3A : memref<!tpu.dma_semaphore, #tpu.memory_space<semaphore_mem>>) src(%dma_wait3A_21 : memref<8192xf32, #tpu.memory_space<hbm>>) dst(%arg18 : memref<8192xf32, #tpu.memory_space<vmem>>)
      tpu.yield
    }) : () -> ()
    "tpu.region"() ({
      %run_scoped3A = tpu.sem_alloc : memref<!tpu.dma_semaphore, #tpu.memory_space<semaphore_mem>>
      %dma_start3A_18 = tpu.memref_slice %arg9[%mul3A_2] : memref<262144xf32, #tpu.memory_space<hbm>> -> memref<8192xf32, #tpu.memory_space<hbm>>
      %dma_start3A_19 = tpu.memref_slice %arg9[%mul3A_2] : memref<262144xf32, #tpu.memory_space<hbm>> -> memref<8192xf32, #tpu.memory_space<hbm>>
      tpu.enqueue_dma source(%dma_start3A_19 : memref<8192xf32, #tpu.memory_space<hbm>>) target(%arg19 : memref<8192xf32, #tpu.memory_space<vmem>>) target_semaphore(%run_scoped3A : memref<!tpu.dma_semaphore, #tpu.memory_space<semaphore_mem>>)
      %dma_wait3A_20 = tpu.memref_slice %arg9[%mul3A_2] : memref<262144xf32, #tpu.memory_space<hbm>> -> memref<8192xf32, #tpu.memory_space<hbm>>
      %dma_wait3A_21 = tpu.memref_slice %arg9[%mul3A_2] : memref<262144xf32, #tpu.memory_space<hbm>> -> memref<8192xf32, #tpu.memory_space<hbm>>
      tpu.wait_dma2 semaphore(%run_scoped3A : memref<!tpu.dma_semaphore, #tpu.memory_space<semaphore_mem>>) src(%dma_wait3A_21 : memref<8192xf32, #tpu.memory_space<hbm>>) dst(%arg19 : memref<8192xf32, #tpu.memory_space<vmem>>)
      tpu.yield
    }) : () -> ()
    "tpu.region"() ({
      %run_scoped3A = tpu.sem_alloc : memref<!tpu.dma_semaphore, #tpu.memory_space<semaphore_mem>>
      %dma_start3A_18 = tpu.memref_slice %arg6[%mul3A_2] : memref<262144xf32, #tpu.memory_space<hbm>> -> memref<8192xf32, #tpu.memory_space<hbm>>
      %dma_start3A_19 = tpu.memref_slice %arg6[%mul3A_2] : memref<262144xf32, #tpu.memory_space<hbm>> -> memref<8192xf32, #tpu.memory_space<hbm>>
      tpu.enqueue_dma source(%dma_start3A_19 : memref<8192xf32, #tpu.memory_space<hbm>>) target(%arg16 : memref<8192xf32, #tpu.memory_space<vmem>>) target_semaphore(%run_scoped3A : memref<!tpu.dma_semaphore, #tpu.memory_space<semaphore_mem>>)
      %dma_wait3A_20 = tpu.memref_slice %arg6[%mul3A_2] : memref<262144xf32, #tpu.memory_space<hbm>> -> memref<8192xf32, #tpu.memory_space<hbm>>
      %dma_wait3A_21 = tpu.memref_slice %arg6[%mul3A_2] : memref<262144xf32, #tpu.memory_space<hbm>> -> memref<8192xf32, #tpu.memory_space<hbm>>
      tpu.wait_dma2 semaphore(%run_scoped3A : memref<!tpu.dma_semaphore, #tpu.memory_space<semaphore_mem>>) src(%dma_wait3A_21 : memref<8192xf32, #tpu.memory_space<hbm>>) dst(%arg16 : memref<8192xf32, #tpu.memory_space<vmem>>)
      tpu.yield
    }) : () -> ()
    %dma_start3A = arith.constant 0 : i32
    %dma_start3A_3 = tpu.memref_slice %arg2[%dma_start3A] : memref<4096xf32, #tpu.memory_space<hbm>> -> memref<4096xf32, #tpu.memory_space<hbm>>
    tpu.enqueue_indirect_dma source(%dma_start3A_3 : memref<4096xf32, #tpu.memory_space<hbm>>) target(%arg13 : memref<8192xf32, #tpu.memory_space<vmem>>) offsets(%arg12 : memref<8192xi32, #tpu.memory_space<vmem>>) semaphore(%arg22 : memref<!tpu.dma_semaphore, #tpu.memory_space<semaphore_mem>>)
    %dma_wait3A = arith.constant 0 : i32
    %dma_wait3A_4 = tpu.memref_slice %arg2[%dma_wait3A] : memref<4096xf32, #tpu.memory_space<hbm>> -> memref<4096xf32, #tpu.memory_space<hbm>>
    tpu.wait_indirect_dma semaphore(%arg22 : memref<!tpu.dma_semaphore, #tpu.memory_space<semaphore_mem>>) src(%dma_wait3A_4 : memref<4096xf32, #tpu.memory_space<hbm>>) dst(%arg13 : memref<8192xf32, #tpu.memory_space<vmem>>)
    %dma_start3A_5 = arith.constant 0 : i32
    %dma_start3A_6 = tpu.memref_slice %arg3[%dma_start3A_5] : memref<4096xf32, #tpu.memory_space<hbm>> -> memref<4096xf32, #tpu.memory_space<hbm>>
    tpu.enqueue_indirect_dma source(%dma_start3A_6 : memref<4096xf32, #tpu.memory_space<hbm>>) target(%arg14 : memref<8192xf32, #tpu.memory_space<vmem>>) offsets(%arg12 : memref<8192xi32, #tpu.memory_space<vmem>>) semaphore(%arg23 : memref<!tpu.dma_semaphore, #tpu.memory_space<semaphore_mem>>)
    %dma_wait3A_7 = arith.constant 0 : i32
    %dma_wait3A_8 = tpu.memref_slice %arg3[%dma_wait3A_7] : memref<4096xf32, #tpu.memory_space<hbm>> -> memref<4096xf32, #tpu.memory_space<hbm>>
    tpu.wait_indirect_dma semaphore(%arg23 : memref<!tpu.dma_semaphore, #tpu.memory_space<semaphore_mem>>) src(%dma_wait3A_8 : memref<4096xf32, #tpu.memory_space<hbm>>) dst(%arg14 : memref<8192xf32, #tpu.memory_space<vmem>>)
    %dma_start3A_9 = arith.constant 0 : i32
    %dma_start3A_10 = tpu.memref_slice %arg4[%dma_start3A_9] : memref<4096xf32, #tpu.memory_space<hbm>> -> memref<4096xf32, #tpu.memory_space<hbm>>
    tpu.enqueue_indirect_dma source(%dma_start3A_10 : memref<4096xf32, #tpu.memory_space<hbm>>) target(%arg15 : memref<8192xf32, #tpu.memory_space<vmem>>) offsets(%arg12 : memref<8192xi32, #tpu.memory_space<vmem>>) semaphore(%arg24 : memref<!tpu.dma_semaphore, #tpu.memory_space<semaphore_mem>>)
    %dma_wait3A_11 = arith.constant 0 : i32
    %dma_wait3A_12 = tpu.memref_slice %arg4[%dma_wait3A_11] : memref<4096xf32, #tpu.memory_space<hbm>> -> memref<4096xf32, #tpu.memory_space<hbm>>
    tpu.wait_indirect_dma semaphore(%arg24 : memref<!tpu.dma_semaphore, #tpu.memory_space<semaphore_mem>>) src(%dma_wait3A_12 : memref<4096xf32, #tpu.memory_space<hbm>>) dst(%arg15 : memref<8192xf32, #tpu.memory_space<vmem>>)
    %scan3A = arith.constant 0 : i32
    %scan3A_13 = arith.constant 0 : i32
    %scan3A_14 = arith.constant 512 : i32
    %scan3A_15 = arith.addi %scan3A_13, %scan3A_14 : i32
    %scan3A_16 = arith.constant 4 : i32
    scf.for %scan3A_18 = %scan3A_13 to %scan3A_15 step %scan3A_16  : i32 {
      %mul3A_19 = arith.constant 16 : i32
      %mul3A_20 = arith.muli %scan3A_18, %mul3A_19 : i32
      %get3A = arith.index_cast %mul3A_20 : i32 to index
      %get3A_21 = tpu.vector_load %arg13[%get3A] {strides = array<i32>} : memref<8192xf32, #tpu.memory_space<vmem>>, vector<16xf32>,
      %get3A_22 = vector.shape_cast %get3A_21 : vector<16xf32> to vector<16xf32>
      %get3A_23 = arith.index_cast %mul3A_20 : i32 to index
      %get3A_24 = tpu.vector_load %arg17[%get3A_23] {strides = array<i32>} : memref<8192xf32, #tpu.memory_space<vmem>>, vector<16xf32>,
      %get3A_25 = vector.shape_cast %get3A_24 : vector<16xf32> to vector<16xf32>
      %sub3A = arith.subf %get3A_22, %get3A_25 : vector<16xf32>
      %get3A_26 = arith.index_cast %mul3A_20 : i32 to index
      %get3A_27 = tpu.vector_load %arg14[%get3A_26] {strides = array<i32>} : memref<8192xf32, #tpu.memory_space<vmem>>, vector<16xf32>,
      %get3A_28 = vector.shape_cast %get3A_27 : vector<16xf32> to vector<16xf32>
      %get3A_29 = arith.index_cast %mul3A_20 : i32 to index
      %get3A_30 = tpu.vector_load %arg18[%get3A_29] {strides = array<i32>} : memref<8192xf32, #tpu.memory_space<vmem>>, vector<16xf32>,
      %get3A_31 = vector.shape_cast %get3A_30 : vector<16xf32> to vector<16xf32>
      %sub3A_32 = arith.subf %get3A_28, %get3A_31 : vector<16xf32>
      %get3A_33 = arith.index_cast %mul3A_20 : i32 to index
      %get3A_34 = tpu.vector_load %arg15[%get3A_33] {strides = array<i32>} : memref<8192xf32, #tpu.memory_space<vmem>>, vector<16xf32>,
      %get3A_35 = vector.shape_cast %get3A_34 : vector<16xf32> to vector<16xf32>
      %get3A_36 = arith.index_cast %mul3A_20 : i32 to index
      %get3A_37 = tpu.vector_load %arg19[%get3A_36] {strides = array<i32>} : memref<8192xf32, #tpu.memory_space<vmem>>, vector<16xf32>,
      %get3A_38 = vector.shape_cast %get3A_37 : vector<16xf32> to vector<16xf32>
      %sub3A_39 = arith.subf %get3A_35, %get3A_38 : vector<16xf32>
      %mul3A_40 = arith.mulf %sub3A, %sub3A : vector<16xf32>
      %mul3A_41 = arith.mulf %sub3A_32, %sub3A_32 : vector<16xf32>
      %add3A_42 = arith.addf %mul3A_40, %mul3A_41 : vector<16xf32>
      %mul3A_43 = arith.mulf %sub3A_39, %sub3A_39 : vector<16xf32>
      %add3A_44 = arith.addf %add3A_42, %mul3A_43 : vector<16xf32>
      %bitcast_convert_type3A = tpu.bitcast %add3A_44 : vector<16xf32> -> vector<16xi32>
      %shift_right_logical3A = arith.constant 1 : i32
      %shift_right_logical3A_45 = vector.broadcast %shift_right_logical3A : i32 to vector<16xi32>
      %shift_right_logical3A_46 = arith.shrui %bitcast_convert_type3A, %shift_right_logical3A_45 : vector<16xi32>
      %sub3A_47 = arith.constant 1597463007 : i32
      %sub3A_48 = vector.broadcast %sub3A_47 : i32 to vector<16xi32>
      %sub3A_49 = arith.subi %sub3A_48, %shift_right_logical3A_46 : vector<16xi32>
      %bitcast_convert_type3A_50 = tpu.bitcast %sub3A_49 : vector<16xi32> -> vector<16xf32>
      %mul3A_51 = arith.constant 5.000000e-01 : f32
      %mul3A_52 = vector.broadcast %mul3A_51 : f32 to vector<16xf32>
      %mul3A_53 = arith.mulf %mul3A_52, %add3A_44 : vector<16xf32>
      %mul3A_54 = arith.mulf %mul3A_53, %bitcast_convert_type3A_50 : vector<16xf32>
      %mul3A_55 = arith.mulf %mul3A_54, %bitcast_convert_type3A_50 : vector<16xf32>
      %sub3A_56 = arith.constant 1.500000e+00 : f32
      %sub3A_57 = vector.broadcast %sub3A_56 : f32 to vector<16xf32>
      %sub3A_58 = arith.subf %sub3A_57, %mul3A_55 : vector<16xf32>
      %mul3A_59 = arith.mulf %bitcast_convert_type3A_50, %sub3A_58 : vector<16xf32>
      %mul3A_60 = arith.constant 5.000000e-01 : f32
      %mul3A_61 = vector.broadcast %mul3A_60 : f32 to vector<16xf32>
      %mul3A_62 = arith.mulf %mul3A_61, %add3A_44 : vector<16xf32>
      %mul3A_63 = arith.mulf %mul3A_62, %mul3A_59 : vector<16xf32>
      %mul3A_64 = arith.mulf %mul3A_63, %mul3A_59 : vector<16xf32>
      %sub3A_65 = arith.constant 1.500000e+00 : f32
      %sub3A_66 = vector.broadcast %sub3A_65 : f32 to vector<16xf32>
      %sub3A_67 = arith.subf %sub3A_66, %mul3A_64 : vector<16xf32>
      %mul3A_68 = arith.mulf %mul3A_59, %sub3A_67 : vector<16xf32>
      %mul3A_69 = arith.constant 5.000000e-01 : f32
      %mul3A_70 = vector.broadcast %mul3A_69 : f32 to vector<16xf32>
      %mul3A_71 = arith.mulf %mul3A_70, %add3A_44 : vector<16xf32>
      %mul3A_72 = arith.mulf %mul3A_71, %mul3A_68 : vector<16xf32>
      %mul3A_73 = arith.mulf %mul3A_72, %mul3A_68 : vector<16xf32>
      %sub3A_74 = arith.constant 1.500000e+00 : f32
      %sub3A_75 = vector.broadcast %sub3A_74 : f32 to vector<16xf32>
      %sub3A_76 = arith.subf %sub3A_75, %mul3A_73 : vector<16xf32>
      %mul3A_77 = arith.mulf %mul3A_68, %sub3A_76 : vector<16xf32>
      %mul3A_78 = arith.mulf %add3A_44, %mul3A_77 : vector<16xf32>
      %gt3A = arith.constant 0.000000e+00 : f32
      %gt3A_79 = vector.broadcast %gt3A : f32 to vector<16xf32>
      %gt3A_80 = arith.cmpf ogt, %add3A_44, %gt3A_79 : vector<16xf32>
      %get3A_81 = arith.index_cast %mul3A_20 : i32 to index
      %get3A_82 = tpu.vector_load %arg16[%get3A_81] {strides = array<i32>} : memref<8192xf32, #tpu.memory_space<vmem>>, vector<16xf32>,
      %get3A_83 = vector.shape_cast %get3A_82 : vector<16xf32> to vector<16xf32>
      %ne3A = arith.constant 0.000000e+00 : f32
      %ne3A_84 = vector.broadcast %ne3A : f32 to vector<16xf32>
      %ne3A_85 = arith.cmpf one, %get3A_83, %ne3A_84 : vector<16xf32>
      %and3A = arith.andi %gt3A_80, %ne3A_85 : vector<16xi1>
      %jit3A = arith.constant 0.000000e+00 : f32
      %broadcast_in_dim3A = vector.broadcast %jit3A : f32 to vector<16xf32>
      %select_n3A = arith.select %and3A, %mul3A_78, %broadcast_in_dim3A : vector<16xi1>, vector<16xf32>
      %mul3A_86 = arith.constant 2.000000e-01 : f32
      %mul3A_87 = vector.broadcast %mul3A_86 : f32 to vector<16xf32>
      %mul3A_88 = arith.mulf %select_n3A, %mul3A_87 : vector<16xf32>
      %mul3A_89 = arith.mulf %mul3A_88, %mul3A_88 : vector<16xf32>
      %broadcast_in_dim3A_90 = arith.constant 4.30306955E-6 : f32
      %broadcast_in_dim3A_91 = vector.broadcast %broadcast_in_dim3A_90 : f32 to vector<16xf32>
      %mul3A_92 = arith.mulf %broadcast_in_dim3A_91, %mul3A_89 : vector<16xf32>
      %add3A_93 = arith.constant -1.04638108E-4 : f32
      %add3A_94 = vector.broadcast %add3A_93 : f32 to vector<16xf32>
      %add3A_95 = arith.addf %mul3A_92, %add3A_94 : vector<16xf32>
      %mul3A_96 = arith.mulf %add3A_95, %mul3A_89 : vector<16xf32>
      %add3A_97 = arith.constant 0.0019295743 : f32
      %add3A_98 = vector.broadcast %add3A_97 : f32 to vector<16xf32>
      %add3A_99 = arith.addf %mul3A_96, %add3A_98 : vector<16xf32>
      %mul3A_100 = arith.mulf %add3A_99, %mul3A_89 : vector<16xf32>
      %add3A_101 = arith.constant -0.0258068908 : f32
      %add3A_102 = vector.broadcast %add3A_101 : f32 to vector<16xf32>
      %add3A_103 = arith.addf %mul3A_100, %add3A_102 : vector<16xf32>
      %mul3A_104 = arith.mulf %add3A_103, %mul3A_89 : vector<16xf32>
      %add3A_105 = arith.constant 0.235330626 : f32
      %add3A_106 = vector.broadcast %add3A_105 : f32 to vector<16xf32>
      %add3A_107 = arith.addf %mul3A_104, %add3A_106 : vector<16xf32>
      %mul3A_108 = arith.mulf %add3A_107, %mul3A_89 : vector<16xf32>
      %add3A_109 = arith.constant -1.33526278 : f32
      %add3A_110 = vector.broadcast %add3A_109 : f32 to vector<16xf32>
      %add3A_111 = arith.addf %mul3A_108, %add3A_110 : vector<16xf32>
      %mul3A_112 = arith.mulf %add3A_111, %mul3A_89 : vector<16xf32>
      %add3A_113 = arith.constant 4.05871201 : f32
      %add3A_114 = vector.broadcast %add3A_113 : f32 to vector<16xf32>
      %add3A_115 = arith.addf %mul3A_112, %add3A_114 : vector<16xf32>
      %mul3A_116 = arith.mulf %add3A_115, %mul3A_89 : vector<16xf32>
      %add3A_117 = arith.constant -4.93480206 : f32
      %add3A_118 = vector.broadcast %add3A_117 : f32 to vector<16xf32>
      %add3A_119 = arith.addf %mul3A_116, %add3A_118 : vector<16xf32>
      %mul3A_120 = arith.mulf %add3A_119, %mul3A_89 : vector<16xf32>
      %add3A_121 = arith.constant 1.000000e+00 : f32
      %add3A_122 = vector.broadcast %add3A_121 : f32 to vector<16xf32>
      %add3A_123 = arith.addf %mul3A_120, %add3A_122 : vector<16xf32>
      %lt3A = arith.constant 5.000000e+00 : f32
      %lt3A_124 = vector.broadcast %lt3A : f32 to vector<16xf32>
      %lt3A_125 = arith.cmpf olt, %select_n3A, %lt3A_124 : vector<16xf32>
      %add3A_126 = arith.constant 1.000000e+00 : f32
      %add3A_127 = vector.broadcast %add3A_126 : f32 to vector<16xf32>
      %add3A_128 = arith.addf %add3A_123, %add3A_127 : vector<16xf32>
      %mul3A_129 = arith.constant 5.000000e-01 : f32
      %mul3A_130 = vector.broadcast %mul3A_129 : f32 to vector<16xf32>
      %mul3A_131 = arith.mulf %mul3A_130, %add3A_128 : vector<16xf32>
      %jit3A_132 = arith.constant 0.000000e+00 : f32
      %broadcast_in_dim3A_133 = vector.broadcast %jit3A_132 : f32 to vector<16xf32>
      %select_n3A_134 = arith.select %lt3A_125, %mul3A_131, %broadcast_in_dim3A_133 : vector<16xi1>, vector<16xf32>
      %swap3A = arith.index_cast %mul3A_20 : i32 to index
      %swap3A_135 = tpu.vector_load %arg20[%swap3A] {strides = array<i32>} : memref<8192xf32, #tpu.memory_space<vmem>>, vector<16xf32>,
      %swap3A_136 = vector.shape_cast %swap3A_135 : vector<16xf32> to vector<16xf32>
      %swap3A_137 = vector.shape_cast %select_n3A : vector<16xf32> to vector<16xf32>
      tpu.vector_store %arg20[%swap3A], %swap3A_137 {strides = array<i32>} : memref<8192xf32, #tpu.memory_space<vmem>>, vector<16xf32>,
      %get3A_138 = arith.index_cast %mul3A_20 : i32 to index
      %get3A_139 = tpu.vector_load %arg16[%get3A_138] {strides = array<i32>} : memref<8192xf32, #tpu.memory_space<vmem>>, vector<16xf32>,
      %get3A_140 = vector.shape_cast %get3A_139 : vector<16xf32> to vector<16xf32>
      %mul3A_141 = arith.mulf %select_n3A_134, %get3A_140 : vector<16xf32>
      %swap3A_142 = arith.index_cast %mul3A_20 : i32 to index
      %swap3A_143 = tpu.vector_load %arg21[%swap3A_142] {strides = array<i32>} : memref<8192xf32, #tpu.memory_space<vmem>>, vector<16xf32>,
      %swap3A_144 = vector.shape_cast %swap3A_143 : vector<16xf32> to vector<16xf32>
      %swap3A_145 = vector.shape_cast %mul3A_141 : vector<16xf32> to vector<16xf32>
      tpu.vector_store %arg21[%swap3A_142], %swap3A_145 {strides = array<i32>} : memref<8192xf32, #tpu.memory_space<vmem>>, vector<16xf32>,
      %scan3A_146 = arith.constant 1 : i32
      %scan3A_147 = arith.addi %scan3A_18, %scan3A_146 : i32
      %mul3A_148 = arith.constant 16 : i32
      %mul3A_149 = arith.muli %scan3A_147, %mul3A_148 : i32
      %get3A_150 = arith.index_cast %mul3A_149 : i32 to index
      %get3A_151 = tpu.vector_load %arg13[%get3A_150] {strides = array<i32>} : memref<8192xf32, #tpu.memory_space<vmem>>, vector<16xf32>,
      %get3A_152 = vector.shape_cast %get3A_151 : vector<16xf32> to vector<16xf32>
      %get3A_153 = arith.index_cast %mul3A_149 : i32 to index
      %get3A_154 = tpu.vector_load %arg17[%get3A_153] {strides = array<i32>} : memref<8192xf32, #tpu.memory_space<vmem>>, vector<16xf32>,
      %get3A_155 = vector.shape_cast %get3A_154 : vector<16xf32> to vector<16xf32>
      %sub3A_156 = arith.subf %get3A_152, %get3A_155 : vector<16xf32>
      %get3A_157 = arith.index_cast %mul3A_149 : i32 to index
      %get3A_158 = tpu.vector_load %arg14[%get3A_157] {strides = array<i32>} : memref<8192xf32, #tpu.memory_space<vmem>>, vector<16xf32>,
      %get3A_159 = vector.shape_cast %get3A_158 : vector<16xf32> to vector<16xf32>
      %get3A_160 = arith.index_cast %mul3A_149 : i32 to index
      %get3A_161 = tpu.vector_load %arg18[%get3A_160] {strides = array<i32>} : memref<8192xf32, #tpu.memory_space<vmem>>, vector<16xf32>,
      %get3A_162 = vector.shape_cast %get3A_161 : vector<16xf32> to vector<16xf32>
      %sub3A_163 = arith.subf %get3A_159, %get3A_162 : vector<16xf32>
      %get3A_164 = arith.index_cast %mul3A_149 : i32 to index
      %get3A_165 = tpu.vector_load %arg15[%get3A_164] {strides = array<i32>} : memref<8192xf32, #tpu.memory_space<vmem>>, vector<16xf32>,
      %get3A_166 = vector.shape_cast %get3A_165 : vector<16xf32> to vector<16xf32>
      %get3A_167 = arith.index_cast %mul3A_149 : i32 to index
      %get3A_168 = tpu.vector_load %arg19[%get3A_167] {strides = array<i32>} : memref<8192xf32, #tpu.memory_space<vmem>>, vector<16xf32>,
      %get3A_169 = vector.shape_cast %get3A_168 : vector<16xf32> to vector<16xf32>
      %sub3A_170 = arith.subf %get3A_166, %get3A_169 : vector<16xf32>
      %mul3A_171 = arith.mulf %sub3A_156, %sub3A_156 : vector<16xf32>
      %mul3A_172 = arith.mulf %sub3A_163, %sub3A_163 : vector<16xf32>
      %add3A_173 = arith.addf %mul3A_171, %mul3A_172 : vector<16xf32>
      %mul3A_174 = arith.mulf %sub3A_170, %sub3A_170 : vector<16xf32>
      %add3A_175 = arith.addf %add3A_173, %mul3A_174 : vector<16xf32>
      %bitcast_convert_type3A_176 = tpu.bitcast %add3A_175 : vector<16xf32> -> vector<16xi32>
      %shift_right_logical3A_177 = arith.constant 1 : i32
      %shift_right_logical3A_178 = vector.broadcast %shift_right_logical3A_177 : i32 to vector<16xi32>
      %shift_right_logical3A_179 = arith.shrui %bitcast_convert_type3A_176, %shift_right_logical3A_178 : vector<16xi32>
      %sub3A_180 = arith.constant 1597463007 : i32
      %sub3A_181 = vector.broadcast %sub3A_180 : i32 to vector<16xi32>
      %sub3A_182 = arith.subi %sub3A_181, %shift_right_logical3A_179 : vector<16xi32>
      %bitcast_convert_type3A_183 = tpu.bitcast %sub3A_182 : vector<16xi32> -> vector<16xf32>
      %mul3A_184 = arith.constant 5.000000e-01 : f32
      %mul3A_185 = vector.broadcast %mul3A_184 : f32 to vector<16xf32>
      %mul3A_186 = arith.mulf %mul3A_185, %add3A_175 : vector<16xf32>
      %mul3A_187 = arith.mulf %mul3A_186, %bitcast_convert_type3A_183 : vector<16xf32>
      %mul3A_188 = arith.mulf %mul3A_187, %bitcast_convert_type3A_183 : vector<16xf32>
      %sub3A_189 = arith.constant 1.500000e+00 : f32
      %sub3A_190 = vector.broadcast %sub3A_189 : f32 to vector<16xf32>
      %sub3A_191 = arith.subf %sub3A_190, %mul3A_188 : vector<16xf32>
      %mul3A_192 = arith.mulf %bitcast_convert_type3A_183, %sub3A_191 : vector<16xf32>
      %mul3A_193 = arith.constant 5.000000e-01 : f32
      %mul3A_194 = vector.broadcast %mul3A_193 : f32 to vector<16xf32>
      %mul3A_195 = arith.mulf %mul3A_194, %add3A_175 : vector<16xf32>
      %mul3A_196 = arith.mulf %mul3A_195, %mul3A_192 : vector<16xf32>
      %mul3A_197 = arith.mulf %mul3A_196, %mul3A_192 : vector<16xf32>
      %sub3A_198 = arith.constant 1.500000e+00 : f32
      %sub3A_199 = vector.broadcast %sub3A_198 : f32 to vector<16xf32>
      %sub3A_200 = arith.subf %sub3A_199, %mul3A_197 : vector<16xf32>
      %mul3A_201 = arith.mulf %mul3A_192, %sub3A_200 : vector<16xf32>
      %mul3A_202 = arith.constant 5.000000e-01 : f32
      %mul3A_203 = vector.broadcast %mul3A_202 : f32 to vector<16xf32>
      %mul3A_204 = arith.mulf %mul3A_203, %add3A_175 : vector<16xf32>
      %mul3A_205 = arith.mulf %mul3A_204, %mul3A_201 : vector<16xf32>
      %mul3A_206 = arith.mulf %mul3A_205, %mul3A_201 : vector<16xf32>
      %sub3A_207 = arith.constant 1.500000e+00 : f32
      %sub3A_208 = vector.broadcast %sub3A_207 : f32 to vector<16xf32>
      %sub3A_209 = arith.subf %sub3A_208, %mul3A_206 : vector<16xf32>
      %mul3A_210 = arith.mulf %mul3A_201, %sub3A_209 : vector<16xf32>
      %mul3A_211 = arith.mulf %add3A_175, %mul3A_210 : vector<16xf32>
      %gt3A_212 = arith.constant 0.000000e+00 : f32
      %gt3A_213 = vector.broadcast %gt3A_212 : f32 to vector<16xf32>
      %gt3A_214 = arith.cmpf ogt, %add3A_175, %gt3A_213 : vector<16xf32>
      %get3A_215 = arith.index_cast %mul3A_149 : i32 to index
      %get3A_216 = tpu.vector_load %arg16[%get3A_215] {strides = array<i32>} : memref<8192xf32, #tpu.memory_space<vmem>>, vector<16xf32>,
      %get3A_217 = vector.shape_cast %get3A_216 : vector<16xf32> to vector<16xf32>
      %ne3A_218 = arith.constant 0.000000e+00 : f32
      %ne3A_219 = vector.broadcast %ne3A_218 : f32 to vector<16xf32>
      %ne3A_220 = arith.cmpf one, %get3A_217, %ne3A_219 : vector<16xf32>
      %and3A_221 = arith.andi %gt3A_214, %ne3A_220 : vector<16xi1>
      %jit3A_222 = arith.constant 0.000000e+00 : f32
      %broadcast_in_dim3A_223 = vector.broadcast %jit3A_222 : f32 to vector<16xf32>
      %select_n3A_224 = arith.select %and3A_221, %mul3A_211, %broadcast_in_dim3A_223 : vector<16xi1>, vector<16xf32>
      %mul3A_225 = arith.constant 2.000000e-01 : f32
      %mul3A_226 = vector.broadcast %mul3A_225 : f32 to vector<16xf32>
      %mul3A_227 = arith.mulf %select_n3A_224, %mul3A_226 : vector<16xf32>
      %mul3A_228 = arith.mulf %mul3A_227, %mul3A_227 : vector<16xf32>
      %broadcast_in_dim3A_229 = arith.constant 4.30306955E-6 : f32
      %broadcast_in_dim3A_230 = vector.broadcast %broadcast_in_dim3A_229 : f32 to vector<16xf32>
      %mul3A_231 = arith.mulf %broadcast_in_dim3A_230, %mul3A_228 : vector<16xf32>
      %add3A_232 = arith.constant -1.04638108E-4 : f32
      %add3A_233 = vector.broadcast %add3A_232 : f32 to vector<16xf32>
      %add3A_234 = arith.addf %mul3A_231, %add3A_233 : vector<16xf32>
      %mul3A_235 = arith.mulf %add3A_234, %mul3A_228 : vector<16xf32>
      %add3A_236 = arith.constant 0.0019295743 : f32
      %add3A_237 = vector.broadcast %add3A_236 : f32 to vector<16xf32>
      %add3A_238 = arith.addf %mul3A_235, %add3A_237 : vector<16xf32>
      %mul3A_239 = arith.mulf %add3A_238, %mul3A_228 : vector<16xf32>
      %add3A_240 = arith.constant -0.0258068908 : f32
      %add3A_241 = vector.broadcast %add3A_240 : f32 to vector<16xf32>
      %add3A_242 = arith.addf %mul3A_239, %add3A_241 : vector<16xf32>
      %mul3A_243 = arith.mulf %add3A_242, %mul3A_228 : vector<16xf32>
      %add3A_244 = arith.constant 0.235330626 : f32
      %add3A_245 = vector.broadcast %add3A_244 : f32 to vector<16xf32>
      %add3A_246 = arith.addf %mul3A_243, %add3A_245 : vector<16xf32>
      %mul3A_247 = arith.mulf %add3A_246, %mul3A_228 : vector<16xf32>
      %add3A_248 = arith.constant -1.33526278 : f32
      %add3A_249 = vector.broadcast %add3A_248 : f32 to vector<16xf32>
      %add3A_250 = arith.addf %mul3A_247, %add3A_249 : vector<16xf32>
      %mul3A_251 = arith.mulf %add3A_250, %mul3A_228 : vector<16xf32>
      %add3A_252 = arith.constant 4.05871201 : f32
      %add3A_253 = vector.broadcast %add3A_252 : f32 to vector<16xf32>
      %add3A_254 = arith.addf %mul3A_251, %add3A_253 : vector<16xf32>
      %mul3A_255 = arith.mulf %add3A_254, %mul3A_228 : vector<16xf32>
      %add3A_256 = arith.constant -4.93480206 : f32
      %add3A_257 = vector.broadcast %add3A_256 : f32 to vector<16xf32>
      %add3A_258 = arith.addf %mul3A_255, %add3A_257 : vector<16xf32>
      %mul3A_259 = arith.mulf %add3A_258, %mul3A_228 : vector<16xf32>
      %add3A_260 = arith.constant 1.000000e+00 : f32
      %add3A_261 = vector.broadcast %add3A_260 : f32 to vector<16xf32>
      %add3A_262 = arith.addf %mul3A_259, %add3A_261 : vector<16xf32>
      %lt3A_263 = arith.constant 5.000000e+00 : f32
      %lt3A_264 = vector.broadcast %lt3A_263 : f32 to vector<16xf32>
      %lt3A_265 = arith.cmpf olt, %select_n3A_224, %lt3A_264 : vector<16xf32>
      %add3A_266 = arith.constant 1.000000e+00 : f32
      %add3A_267 = vector.broadcast %add3A_266 : f32 to vector<16xf32>
      %add3A_268 = arith.addf %add3A_262, %add3A_267 : vector<16xf32>
      %mul3A_269 = arith.constant 5.000000e-01 : f32
      %mul3A_270 = vector.broadcast %mul3A_269 : f32 to vector<16xf32>
      %mul3A_271 = arith.mulf %mul3A_270, %add3A_268 : vector<16xf32>
      %jit3A_272 = arith.constant 0.000000e+00 : f32
      %broadcast_in_dim3A_273 = vector.broadcast %jit3A_272 : f32 to vector<16xf32>
      %select_n3A_274 = arith.select %lt3A_265, %mul3A_271, %broadcast_in_dim3A_273 : vector<16xi1>, vector<16xf32>
      %swap3A_275 = arith.index_cast %mul3A_149 : i32 to index
      %swap3A_276 = tpu.vector_load %arg20[%swap3A_275] {strides = array<i32>} : memref<8192xf32, #tpu.memory_space<vmem>>, vector<16xf32>,
      %swap3A_277 = vector.shape_cast %swap3A_276 : vector<16xf32> to vector<16xf32>
      %swap3A_278 = vector.shape_cast %select_n3A_224 : vector<16xf32> to vector<16xf32>
      tpu.vector_store %arg20[%swap3A_275], %swap3A_278 {strides = array<i32>} : memref<8192xf32, #tpu.memory_space<vmem>>, vector<16xf32>,
      %get3A_279 = arith.index_cast %mul3A_149 : i32 to index
      %get3A_280 = tpu.vector_load %arg16[%get3A_279] {strides = array<i32>} : memref<8192xf32, #tpu.memory_space<vmem>>, vector<16xf32>,
      %get3A_281 = vector.shape_cast %get3A_280 : vector<16xf32> to vector<16xf32>
      %mul3A_282 = arith.mulf %select_n3A_274, %get3A_281 : vector<16xf32>
      %swap3A_283 = arith.index_cast %mul3A_149 : i32 to index
      %swap3A_284 = tpu.vector_load %arg21[%swap3A_283] {strides = array<i32>} : memref<8192xf32, #tpu.memory_space<vmem>>, vector<16xf32>,
      %swap3A_285 = vector.shape_cast %swap3A_284 : vector<16xf32> to vector<16xf32>
      %swap3A_286 = vector.shape_cast %mul3A_282 : vector<16xf32> to vector<16xf32>
      tpu.vector_store %arg21[%swap3A_283], %swap3A_286 {strides = array<i32>} : memref<8192xf32, #tpu.memory_space<vmem>>, vector<16xf32>,
      %scan3A_287 = arith.constant 2 : i32
      %scan3A_288 = arith.addi %scan3A_18, %scan3A_287 : i32
      %mul3A_289 = arith.constant 16 : i32
      %mul3A_290 = arith.muli %scan3A_288, %mul3A_289 : i32
      %get3A_291 = arith.index_cast %mul3A_290 : i32 to index
      %get3A_292 = tpu.vector_load %arg13[%get3A_291] {strides = array<i32>} : memref<8192xf32, #tpu.memory_space<vmem>>, vector<16xf32>,
      %get3A_293 = vector.shape_cast %get3A_292 : vector<16xf32> to vector<16xf32>
      %get3A_294 = arith.index_cast %mul3A_290 : i32 to index
      %get3A_295 = tpu.vector_load %arg17[%get3A_294] {strides = array<i32>} : memref<8192xf32, #tpu.memory_space<vmem>>, vector<16xf32>,
      %get3A_296 = vector.shape_cast %get3A_295 : vector<16xf32> to vector<16xf32>
      %sub3A_297 = arith.subf %get3A_293, %get3A_296 : vector<16xf32>
      %get3A_298 = arith.index_cast %mul3A_290 : i32 to index
      %get3A_299 = tpu.vector_load %arg14[%get3A_298] {strides = array<i32>} : memref<8192xf32, #tpu.memory_space<vmem>>, vector<16xf32>,
      %get3A_300 = vector.shape_cast %get3A_299 : vector<16xf32> to vector<16xf32>
      %get3A_301 = arith.index_cast %mul3A_290 : i32 to index
      %get3A_302 = tpu.vector_load %arg18[%get3A_301] {strides = array<i32>} : memref<8192xf32, #tpu.memory_space<vmem>>, vector<16xf32>,
      %get3A_303 = vector.shape_cast %get3A_302 : vector<16xf32> to vector<16xf32>
      %sub3A_304 = arith.subf %get3A_300, %get3A_303 : vector<16xf32>
      %get3A_305 = arith.index_cast %mul3A_290 : i32 to index
      %get3A_306 = tpu.vector_load %arg15[%get3A_305] {strides = array<i32>} : memref<8192xf32, #tpu.memory_space<vmem>>, vector<16xf32>,
      %get3A_307 = vector.shape_cast %get3A_306 : vector<16xf32> to vector<16xf32>
      %get3A_308 = arith.index_cast %mul3A_290 : i32 to index
      %get3A_309 = tpu.vector_load %arg19[%get3A_308] {strides = array<i32>} : memref<8192xf32, #tpu.memory_space<vmem>>, vector<16xf32>,
      %get3A_310 = vector.shape_cast %get3A_309 : vector<16xf32> to vector<16xf32>
      %sub3A_311 = arith.subf %get3A_307, %get3A_310 : vector<16xf32>
      %mul3A_312 = arith.mulf %sub3A_297, %sub3A_297 : vector<16xf32>
      %mul3A_313 = arith.mulf %sub3A_304, %sub3A_304 : vector<16xf32>
      %add3A_314 = arith.addf %mul3A_312, %mul3A_313 : vector<16xf32>
      %mul3A_315 = arith.mulf %sub3A_311, %sub3A_311 : vector<16xf32>
      %add3A_316 = arith.addf %add3A_314, %mul3A_315 : vector<16xf32>
      %bitcast_convert_type3A_317 = tpu.bitcast %add3A_316 : vector<16xf32> -> vector<16xi32>
      %shift_right_logical3A_318 = arith.constant 1 : i32
      %shift_right_logical3A_319 = vector.broadcast %shift_right_logical3A_318 : i32 to vector<16xi32>
      %shift_right_logical3A_320 = arith.shrui %bitcast_convert_type3A_317, %shift_right_logical3A_319 : vector<16xi32>
      %sub3A_321 = arith.constant 1597463007 : i32
      %sub3A_322 = vector.broadcast %sub3A_321 : i32 to vector<16xi32>
      %sub3A_323 = arith.subi %sub3A_322, %shift_right_logical3A_320 : vector<16xi32>
      %bitcast_convert_type3A_324 = tpu.bitcast %sub3A_323 : vector<16xi32> -> vector<16xf32>
      %mul3A_325 = arith.constant 5.000000e-01 : f32
      %mul3A_326 = vector.broadcast %mul3A_325 : f32 to vector<16xf32>
      %mul3A_327 = arith.mulf %mul3A_326, %add3A_316 : vector<16xf32>
      %mul3A_328 = arith.mulf %mul3A_327, %bitcast_convert_type3A_324 : vector<16xf32>
      %mul3A_329 = arith.mulf %mul3A_328, %bitcast_convert_type3A_324 : vector<16xf32>
      %sub3A_330 = arith.constant 1.500000e+00 : f32
      %sub3A_331 = vector.broadcast %sub3A_330 : f32 to vector<16xf32>
      %sub3A_332 = arith.subf %sub3A_331, %mul3A_329 : vector<16xf32>
      %mul3A_333 = arith.mulf %bitcast_convert_type3A_324, %sub3A_332 : vector<16xf32>
      %mul3A_334 = arith.constant 5.000000e-01 : f32
      %mul3A_335 = vector.broadcast %mul3A_334 : f32 to vector<16xf32>
      %mul3A_336 = arith.mulf %mul3A_335, %add3A_316 : vector<16xf32>
      %mul3A_337 = arith.mulf %mul3A_336, %mul3A_333 : vector<16xf32>
      %mul3A_338 = arith.mulf %mul3A_337, %mul3A_333 : vector<16xf32>
      %sub3A_339 = arith.constant 1.500000e+00 : f32
      %sub3A_340 = vector.broadcast %sub3A_339 : f32 to vector<16xf32>
      %sub3A_341 = arith.subf %sub3A_340, %mul3A_338 : vector<16xf32>
      %mul3A_342 = arith.mulf %mul3A_333, %sub3A_341 : vector<16xf32>
      %mul3A_343 = arith.constant 5.000000e-01 : f32
      %mul3A_344 = vector.broadcast %mul3A_343 : f32 to vector<16xf32>
      %mul3A_345 = arith.mulf %mul3A_344, %add3A_316 : vector<16xf32>
      %mul3A_346 = arith.mulf %mul3A_345, %mul3A_342 : vector<16xf32>
      %mul3A_347 = arith.mulf %mul3A_346, %mul3A_342 : vector<16xf32>
      %sub3A_348 = arith.constant 1.500000e+00 : f32
      %sub3A_349 = vector.broadcast %sub3A_348 : f32 to vector<16xf32>
      %sub3A_350 = arith.subf %sub3A_349, %mul3A_347 : vector<16xf32>
      %mul3A_351 = arith.mulf %mul3A_342, %sub3A_350 : vector<16xf32>
      %mul3A_352 = arith.mulf %add3A_316, %mul3A_351 : vector<16xf32>
      %gt3A_353 = arith.constant 0.000000e+00 : f32
      %gt3A_354 = vector.broadcast %gt3A_353 : f32 to vector<16xf32>
      %gt3A_355 = arith.cmpf ogt, %add3A_316, %gt3A_354 : vector<16xf32>
      %get3A_356 = arith.index_cast %mul3A_290 : i32 to index
      %get3A_357 = tpu.vector_load %arg16[%get3A_356] {strides = array<i32>} : memref<8192xf32, #tpu.memory_space<vmem>>, vector<16xf32>,
      %get3A_358 = vector.shape_cast %get3A_357 : vector<16xf32> to vector<16xf32>
      %ne3A_359 = arith.constant 0.000000e+00 : f32
      %ne3A_360 = vector.broadcast %ne3A_359 : f32 to vector<16xf32>
      %ne3A_361 = arith.cmpf one, %get3A_358, %ne3A_360 : vector<16xf32>
      %and3A_362 = arith.andi %gt3A_355, %ne3A_361 : vector<16xi1>
      %jit3A_363 = arith.constant 0.000000e+00 : f32
      %broadcast_in_dim3A_364 = vector.broadcast %jit3A_363 : f32 to vector<16xf32>
      %select_n3A_365 = arith.select %and3A_362, %mul3A_352, %broadcast_in_dim3A_364 : vector<16xi1>, vector<16xf32>
      %mul3A_366 = arith.constant 2.000000e-01 : f32
      %mul3A_367 = vector.broadcast %mul3A_366 : f32 to vector<16xf32>
      %mul3A_368 = arith.mulf %select_n3A_365, %mul3A_367 : vector<16xf32>
      %mul3A_369 = arith.mulf %mul3A_368, %mul3A_368 : vector<16xf32>
      %broadcast_in_dim3A_370 = arith.constant 4.30306955E-6 : f32
      %broadcast_in_dim3A_371 = vector.broadcast %broadcast_in_dim3A_370 : f32 to vector<16xf32>
      %mul3A_372 = arith.mulf %broadcast_in_dim3A_371, %mul3A_369 : vector<16xf32>
      %add3A_373 = arith.constant -1.04638108E-4 : f32
      %add3A_374 = vector.broadcast %add3A_373 : f32 to vector<16xf32>
      %add3A_375 = arith.addf %mul3A_372, %add3A_374 : vector<16xf32>
      %mul3A_376 = arith.mulf %add3A_375, %mul3A_369 : vector<16xf32>
      %add3A_377 = arith.constant 0.0019295743 : f32
      %add3A_378 = vector.broadcast %add3A_377 : f32 to vector<16xf32>
      %add3A_379 = arith.addf %mul3A_376, %add3A_378 : vector<16xf32>
      %mul3A_380 = arith.mulf %add3A_379, %mul3A_369 : vector<16xf32>
      %add3A_381 = arith.constant -0.0258068908 : f32
      %add3A_382 = vector.broadcast %add3A_381 : f32 to vector<16xf32>
      %add3A_383 = arith.addf %mul3A_380, %add3A_382 : vector<16xf32>
      %mul3A_384 = arith.mulf %add3A_383, %mul3A_369 : vector<16xf32>
      %add3A_385 = arith.constant 0.235330626 : f32
      %add3A_386 = vector.broadcast %add3A_385 : f32 to vector<16xf32>
      %add3A_387 = arith.addf %mul3A_384, %add3A_386 : vector<16xf32>
      %mul3A_388 = arith.mulf %add3A_387, %mul3A_369 : vector<16xf32>
      %add3A_389 = arith.constant -1.33526278 : f32
      %add3A_390 = vector.broadcast %add3A_389 : f32 to vector<16xf32>
      %add3A_391 = arith.addf %mul3A_388, %add3A_390 : vector<16xf32>
      %mul3A_392 = arith.mulf %add3A_391, %mul3A_369 : vector<16xf32>
      %add3A_393 = arith.constant 4.05871201 : f32
      %add3A_394 = vector.broadcast %add3A_393 : f32 to vector<16xf32>
      %add3A_395 = arith.addf %mul3A_392, %add3A_394 : vector<16xf32>
      %mul3A_396 = arith.mulf %add3A_395, %mul3A_369 : vector<16xf32>
      %add3A_397 = arith.constant -4.93480206 : f32
      %add3A_398 = vector.broadcast %add3A_397 : f32 to vector<16xf32>
      %add3A_399 = arith.addf %mul3A_396, %add3A_398 : vector<16xf32>
      %mul3A_400 = arith.mulf %add3A_399, %mul3A_369 : vector<16xf32>
      %add3A_401 = arith.constant 1.000000e+00 : f32
      %add3A_402 = vector.broadcast %add3A_401 : f32 to vector<16xf32>
      %add3A_403 = arith.addf %mul3A_400, %add3A_402 : vector<16xf32>
      %lt3A_404 = arith.constant 5.000000e+00 : f32
      %lt3A_405 = vector.broadcast %lt3A_404 : f32 to vector<16xf32>
      %lt3A_406 = arith.cmpf olt, %select_n3A_365, %lt3A_405 : vector<16xf32>
      %add3A_407 = arith.constant 1.000000e+00 : f32
      %add3A_408 = vector.broadcast %add3A_407 : f32 to vector<16xf32>
      %add3A_409 = arith.addf %add3A_403, %add3A_408 : vector<16xf32>
      %mul3A_410 = arith.constant 5.000000e-01 : f32
      %mul3A_411 = vector.broadcast %mul3A_410 : f32 to vector<16xf32>
      %mul3A_412 = arith.mulf %mul3A_411, %add3A_409 : vector<16xf32>
      %jit3A_413 = arith.constant 0.000000e+00 : f32
      %broadcast_in_dim3A_414 = vector.broadcast %jit3A_413 : f32 to vector<16xf32>
      %select_n3A_415 = arith.select %lt3A_406, %mul3A_412, %broadcast_in_dim3A_414 : vector<16xi1>, vector<16xf32>
      %swap3A_416 = arith.index_cast %mul3A_290 : i32 to index
      %swap3A_417 = tpu.vector_load %arg20[%swap3A_416] {strides = array<i32>} : memref<8192xf32, #tpu.memory_space<vmem>>, vector<16xf32>,
      %swap3A_418 = vector.shape_cast %swap3A_417 : vector<16xf32> to vector<16xf32>
      %swap3A_419 = vector.shape_cast %select_n3A_365 : vector<16xf32> to vector<16xf32>
      tpu.vector_store %arg20[%swap3A_416], %swap3A_419 {strides = array<i32>} : memref<8192xf32, #tpu.memory_space<vmem>>, vector<16xf32>,
      %get3A_420 = arith.index_cast %mul3A_290 : i32 to index
      %get3A_421 = tpu.vector_load %arg16[%get3A_420] {strides = array<i32>} : memref<8192xf32, #tpu.memory_space<vmem>>, vector<16xf32>,
      %get3A_422 = vector.shape_cast %get3A_421 : vector<16xf32> to vector<16xf32>
      %mul3A_423 = arith.mulf %select_n3A_415, %get3A_422 : vector<16xf32>
      %swap3A_424 = arith.index_cast %mul3A_290 : i32 to index
      %swap3A_425 = tpu.vector_load %arg21[%swap3A_424] {strides = array<i32>} : memref<8192xf32, #tpu.memory_space<vmem>>, vector<16xf32>,
      %swap3A_426 = vector.shape_cast %swap3A_425 : vector<16xf32> to vector<16xf32>
      %swap3A_427 = vector.shape_cast %mul3A_423 : vector<16xf32> to vector<16xf32>
      tpu.vector_store %arg21[%swap3A_424], %swap3A_427 {strides = array<i32>} : memref<8192xf32, #tpu.memory_space<vmem>>, vector<16xf32>,
      %scan3A_428 = arith.constant 3 : i32
      %scan3A_429 = arith.addi %scan3A_18, %scan3A_428 : i32
      %mul3A_430 = arith.constant 16 : i32
      %mul3A_431 = arith.muli %scan3A_429, %mul3A_430 : i32
      %get3A_432 = arith.index_cast %mul3A_431 : i32 to index
      %get3A_433 = tpu.vector_load %arg13[%get3A_432] {strides = array<i32>} : memref<8192xf32, #tpu.memory_space<vmem>>, vector<16xf32>,
      %get3A_434 = vector.shape_cast %get3A_433 : vector<16xf32> to vector<16xf32>
      %get3A_435 = arith.index_cast %mul3A_431 : i32 to index
      %get3A_436 = tpu.vector_load %arg17[%get3A_435] {strides = array<i32>} : memref<8192xf32, #tpu.memory_space<vmem>>, vector<16xf32>,
      %get3A_437 = vector.shape_cast %get3A_436 : vector<16xf32> to vector<16xf32>
      %sub3A_438 = arith.subf %get3A_434, %get3A_437 : vector<16xf32>
      %get3A_439 = arith.index_cast %mul3A_431 : i32 to index
      %get3A_440 = tpu.vector_load %arg14[%get3A_439] {strides = array<i32>} : memref<8192xf32, #tpu.memory_space<vmem>>, vector<16xf32>,
      %get3A_441 = vector.shape_cast %get3A_440 : vector<16xf32> to vector<16xf32>
      %get3A_442 = arith.index_cast %mul3A_431 : i32 to index
      %get3A_443 = tpu.vector_load %arg18[%get3A_442] {strides = array<i32>} : memref<8192xf32, #tpu.memory_space<vmem>>, vector<16xf32>,
      %get3A_444 = vector.shape_cast %get3A_443 : vector<16xf32> to vector<16xf32>
      %sub3A_445 = arith.subf %get3A_441, %get3A_444 : vector<16xf32>
      %get3A_446 = arith.index_cast %mul3A_431 : i32 to index
      %get3A_447 = tpu.vector_load %arg15[%get3A_446] {strides = array<i32>} : memref<8192xf32, #tpu.memory_space<vmem>>, vector<16xf32>,
      %get3A_448 = vector.shape_cast %get3A_447 : vector<16xf32> to vector<16xf32>
      %get3A_449 = arith.index_cast %mul3A_431 : i32 to index
      %get3A_450 = tpu.vector_load %arg19[%get3A_449] {strides = array<i32>} : memref<8192xf32, #tpu.memory_space<vmem>>, vector<16xf32>,
      %get3A_451 = vector.shape_cast %get3A_450 : vector<16xf32> to vector<16xf32>
      %sub3A_452 = arith.subf %get3A_448, %get3A_451 : vector<16xf32>
      %mul3A_453 = arith.mulf %sub3A_438, %sub3A_438 : vector<16xf32>
      %mul3A_454 = arith.mulf %sub3A_445, %sub3A_445 : vector<16xf32>
      %add3A_455 = arith.addf %mul3A_453, %mul3A_454 : vector<16xf32>
      %mul3A_456 = arith.mulf %sub3A_452, %sub3A_452 : vector<16xf32>
      %add3A_457 = arith.addf %add3A_455, %mul3A_456 : vector<16xf32>
      %bitcast_convert_type3A_458 = tpu.bitcast %add3A_457 : vector<16xf32> -> vector<16xi32>
      %shift_right_logical3A_459 = arith.constant 1 : i32
      %shift_right_logical3A_460 = vector.broadcast %shift_right_logical3A_459 : i32 to vector<16xi32>
      %shift_right_logical3A_461 = arith.shrui %bitcast_convert_type3A_458, %shift_right_logical3A_460 : vector<16xi32>
      %sub3A_462 = arith.constant 1597463007 : i32
      %sub3A_463 = vector.broadcast %sub3A_462 : i32 to vector<16xi32>
      %sub3A_464 = arith.subi %sub3A_463, %shift_right_logical3A_461 : vector<16xi32>
      %bitcast_convert_type3A_465 = tpu.bitcast %sub3A_464 : vector<16xi32> -> vector<16xf32>
      %mul3A_466 = arith.constant 5.000000e-01 : f32
      %mul3A_467 = vector.broadcast %mul3A_466 : f32 to vector<16xf32>
      %mul3A_468 = arith.mulf %mul3A_467, %add3A_457 : vector<16xf32>
      %mul3A_469 = arith.mulf %mul3A_468, %bitcast_convert_type3A_465 : vector<16xf32>
      %mul3A_470 = arith.mulf %mul3A_469, %bitcast_convert_type3A_465 : vector<16xf32>
      %sub3A_471 = arith.constant 1.500000e+00 : f32
      %sub3A_472 = vector.broadcast %sub3A_471 : f32 to vector<16xf32>
      %sub3A_473 = arith.subf %sub3A_472, %mul3A_470 : vector<16xf32>
      %mul3A_474 = arith.mulf %bitcast_convert_type3A_465, %sub3A_473 : vector<16xf32>
      %mul3A_475 = arith.constant 5.000000e-01 : f32
      %mul3A_476 = vector.broadcast %mul3A_475 : f32 to vector<16xf32>
      %mul3A_477 = arith.mulf %mul3A_476, %add3A_457 : vector<16xf32>
      %mul3A_478 = arith.mulf %mul3A_477, %mul3A_474 : vector<16xf32>
      %mul3A_479 = arith.mulf %mul3A_478, %mul3A_474 : vector<16xf32>
      %sub3A_480 = arith.constant 1.500000e+00 : f32
      %sub3A_481 = vector.broadcast %sub3A_480 : f32 to vector<16xf32>
      %sub3A_482 = arith.subf %sub3A_481, %mul3A_479 : vector<16xf32>
      %mul3A_483 = arith.mulf %mul3A_474, %sub3A_482 : vector<16xf32>
      %mul3A_484 = arith.constant 5.000000e-01 : f32
      %mul3A_485 = vector.broadcast %mul3A_484 : f32 to vector<16xf32>
      %mul3A_486 = arith.mulf %mul3A_485, %add3A_457 : vector<16xf32>
      %mul3A_487 = arith.mulf %mul3A_486, %mul3A_483 : vector<16xf32>
      %mul3A_488 = arith.mulf %mul3A_487, %mul3A_483 : vector<16xf32>
      %sub3A_489 = arith.constant 1.500000e+00 : f32
      %sub3A_490 = vector.broadcast %sub3A_489 : f32 to vector<16xf32>
      %sub3A_491 = arith.subf %sub3A_490, %mul3A_488 : vector<16xf32>
      %mul3A_492 = arith.mulf %mul3A_483, %sub3A_491 : vector<16xf32>
      %mul3A_493 = arith.mulf %add3A_457, %mul3A_492 : vector<16xf32>
      %gt3A_494 = arith.constant 0.000000e+00 : f32
      %gt3A_495 = vector.broadcast %gt3A_494 : f32 to vector<16xf32>
      %gt3A_496 = arith.cmpf ogt, %add3A_457, %gt3A_495 : vector<16xf32>
      %get3A_497 = arith.index_cast %mul3A_431 : i32 to index
      %get3A_498 = tpu.vector_load %arg16[%get3A_497] {strides = array<i32>} : memref<8192xf32, #tpu.memory_space<vmem>>, vector<16xf32>,
      %get3A_499 = vector.shape_cast %get3A_498 : vector<16xf32> to vector<16xf32>
      %ne3A_500 = arith.constant 0.000000e+00 : f32
      %ne3A_501 = vector.broadcast %ne3A_500 : f32 to vector<16xf32>
      %ne3A_502 = arith.cmpf one, %get3A_499, %ne3A_501 : vector<16xf32>
      %and3A_503 = arith.andi %gt3A_496, %ne3A_502 : vector<16xi1>
      %jit3A_504 = arith.constant 0.000000e+00 : f32
      %broadcast_in_dim3A_505 = vector.broadcast %jit3A_504 : f32 to vector<16xf32>
      %select_n3A_506 = arith.select %and3A_503, %mul3A_493, %broadcast_in_dim3A_505 : vector<16xi1>, vector<16xf32>
      %mul3A_507 = arith.constant 2.000000e-01 : f32
      %mul3A_508 = vector.broadcast %mul3A_507 : f32 to vector<16xf32>
      %mul3A_509 = arith.mulf %select_n3A_506, %mul3A_508 : vector<16xf32>
      %mul3A_510 = arith.mulf %mul3A_509, %mul3A_509 : vector<16xf32>
      %broadcast_in_dim3A_511 = arith.constant 4.30306955E-6 : f32
      %broadcast_in_dim3A_512 = vector.broadcast %broadcast_in_dim3A_511 : f32 to vector<16xf32>
      %mul3A_513 = arith.mulf %broadcast_in_dim3A_512, %mul3A_510 : vector<16xf32>
      %add3A_514 = arith.constant -1.04638108E-4 : f32
      %add3A_515 = vector.broadcast %add3A_514 : f32 to vector<16xf32>
      %add3A_516 = arith.addf %mul3A_513, %add3A_515 : vector<16xf32>
      %mul3A_517 = arith.mulf %add3A_516, %mul3A_510 : vector<16xf32>
      %add3A_518 = arith.constant 0.0019295743 : f32
      %add3A_519 = vector.broadcast %add3A_518 : f32 to vector<16xf32>
      %add3A_520 = arith.addf %mul3A_517, %add3A_519 : vector<16xf32>
      %mul3A_521 = arith.mulf %add3A_520, %mul3A_510 : vector<16xf32>
      %add3A_522 = arith.constant -0.0258068908 : f32
      %add3A_523 = vector.broadcast %add3A_522 : f32 to vector<16xf32>
      %add3A_524 = arith.addf %mul3A_521, %add3A_523 : vector<16xf32>
      %mul3A_525 = arith.mulf %add3A_524, %mul3A_510 : vector<16xf32>
      %add3A_526 = arith.constant 0.235330626 : f32
      %add3A_527 = vector.broadcast %add3A_526 : f32 to vector<16xf32>
      %add3A_528 = arith.addf %mul3A_525, %add3A_527 : vector<16xf32>
      %mul3A_529 = arith.mulf %add3A_528, %mul3A_510 : vector<16xf32>
      %add3A_530 = arith.constant -1.33526278 : f32
      %add3A_531 = vector.broadcast %add3A_530 : f32 to vector<16xf32>
      %add3A_532 = arith.addf %mul3A_529, %add3A_531 : vector<16xf32>
      %mul3A_533 = arith.mulf %add3A_532, %mul3A_510 : vector<16xf32>
      %add3A_534 = arith.constant 4.05871201 : f32
      %add3A_535 = vector.broadcast %add3A_534 : f32 to vector<16xf32>
      %add3A_536 = arith.addf %mul3A_533, %add3A_535 : vector<16xf32>
      %mul3A_537 = arith.mulf %add3A_536, %mul3A_510 : vector<16xf32>
      %add3A_538 = arith.constant -4.93480206 : f32
      %add3A_539 = vector.broadcast %add3A_538 : f32 to vector<16xf32>
      %add3A_540 = arith.addf %mul3A_537, %add3A_539 : vector<16xf32>
      %mul3A_541 = arith.mulf %add3A_540, %mul3A_510 : vector<16xf32>
      %add3A_542 = arith.constant 1.000000e+00 : f32
      %add3A_543 = vector.broadcast %add3A_542 : f32 to vector<16xf32>
      %add3A_544 = arith.addf %mul3A_541, %add3A_543 : vector<16xf32>
      %lt3A_545 = arith.constant 5.000000e+00 : f32
      %lt3A_546 = vector.broadcast %lt3A_545 : f32 to vector<16xf32>
      %lt3A_547 = arith.cmpf olt, %select_n3A_506, %lt3A_546 : vector<16xf32>
      %add3A_548 = arith.constant 1.000000e+00 : f32
      %add3A_549 = vector.broadcast %add3A_548 : f32 to vector<16xf32>
      %add3A_550 = arith.addf %add3A_544, %add3A_549 : vector<16xf32>
      %mul3A_551 = arith.constant 5.000000e-01 : f32
      %mul3A_552 = vector.broadcast %mul3A_551 : f32 to vector<16xf32>
      %mul3A_553 = arith.mulf %mul3A_552, %add3A_550 : vector<16xf32>
      %jit3A_554 = arith.constant 0.000000e+00 : f32
      %broadcast_in_dim3A_555 = vector.broadcast %jit3A_554 : f32 to vector<16xf32>
      %select_n3A_556 = arith.select %lt3A_547, %mul3A_553, %broadcast_in_dim3A_555 : vector<16xi1>, vector<16xf32>
      %swap3A_557 = arith.index_cast %mul3A_431 : i32 to index
      %swap3A_558 = tpu.vector_load %arg20[%swap3A_557] {strides = array<i32>} : memref<8192xf32, #tpu.memory_space<vmem>>, vector<16xf32>,
      %swap3A_559 = vector.shape_cast %swap3A_558 : vector<16xf32> to vector<16xf32>
      %swap3A_560 = vector.shape_cast %select_n3A_506 : vector<16xf32> to vector<16xf32>
      tpu.vector_store %arg20[%swap3A_557], %swap3A_560 {strides = array<i32>} : memref<8192xf32, #tpu.memory_space<vmem>>, vector<16xf32>,
      %get3A_561 = arith.index_cast %mul3A_431 : i32 to index
      %get3A_562 = tpu.vector_load %arg16[%get3A_561] {strides = array<i32>} : memref<8192xf32, #tpu.memory_space<vmem>>, vector<16xf32>,
      %get3A_563 = vector.shape_cast %get3A_562 : vector<16xf32> to vector<16xf32>
      %mul3A_564 = arith.mulf %select_n3A_556, %get3A_563 : vector<16xf32>
      %swap3A_565 = arith.index_cast %mul3A_431 : i32 to index
      %swap3A_566 = tpu.vector_load %arg21[%swap3A_565] {strides = array<i32>} : memref<8192xf32, #tpu.memory_space<vmem>>, vector<16xf32>,
      %swap3A_567 = vector.shape_cast %swap3A_566 : vector<16xf32> to vector<16xf32>
      %swap3A_568 = vector.shape_cast %mul3A_564 : vector<16xf32> to vector<16xf32>
      tpu.vector_store %arg21[%swap3A_565], %swap3A_568 {strides = array<i32>} : memref<8192xf32, #tpu.memory_space<vmem>>, vector<16xf32>,
    }
    %scan3A_17 = arith.constant 512 : i32
    "tpu.region"() ({
      %run_scoped3A = tpu.sem_alloc : memref<!tpu.dma_semaphore, #tpu.memory_space<semaphore_mem>>
      %dma_start3A_18 = tpu.memref_slice %arg10[%mul3A_2] : memref<262144xf32, #tpu.memory_space<hbm>> -> memref<8192xf32, #tpu.memory_space<hbm>>
      %dma_start3A_19 = tpu.memref_slice %arg10[%mul3A_2] : memref<262144xf32, #tpu.memory_space<hbm>> -> memref<8192xf32, #tpu.memory_space<hbm>>
      tpu.enqueue_dma source(%arg20 : memref<8192xf32, #tpu.memory_space<vmem>>) target(%dma_start3A_19 : memref<8192xf32, #tpu.memory_space<hbm>>) target_semaphore(%run_scoped3A : memref<!tpu.dma_semaphore, #tpu.memory_space<semaphore_mem>>)
      %dma_wait3A_20 = tpu.memref_slice %arg10[%mul3A_2] : memref<262144xf32, #tpu.memory_space<hbm>> -> memref<8192xf32, #tpu.memory_space<hbm>>
      %dma_wait3A_21 = tpu.memref_slice %arg10[%mul3A_2] : memref<262144xf32, #tpu.memory_space<hbm>> -> memref<8192xf32, #tpu.memory_space<hbm>>
      tpu.wait_dma2 semaphore(%run_scoped3A : memref<!tpu.dma_semaphore, #tpu.memory_space<semaphore_mem>>) src(%arg20 : memref<8192xf32, #tpu.memory_space<vmem>>) dst(%dma_wait3A_21 : memref<8192xf32, #tpu.memory_space<hbm>>)
      tpu.yield
    }) : () -> ()
    "tpu.region"() ({
      %run_scoped3A = tpu.sem_alloc : memref<!tpu.dma_semaphore, #tpu.memory_space<semaphore_mem>>
      %dma_start3A_18 = tpu.memref_slice %arg11[%mul3A_2] : memref<262144xf32, #tpu.memory_space<hbm>> -> memref<8192xf32, #tpu.memory_space<hbm>>
      %dma_start3A_19 = tpu.memref_slice %arg11[%mul3A_2] : memref<262144xf32, #tpu.memory_space<hbm>> -> memref<8192xf32, #tpu.memory_space<hbm>>
      tpu.enqueue_dma source(%arg21 : memref<8192xf32, #tpu.memory_space<vmem>>) target(%dma_start3A_19 : memref<8192xf32, #tpu.memory_space<hbm>>) target_semaphore(%run_scoped3A : memref<!tpu.dma_semaphore, #tpu.memory_space<semaphore_mem>>)
      %dma_wait3A_20 = tpu.memref_slice %arg11[%mul3A_2] : memref<262144xf32, #tpu.memory_space<hbm>> -> memref<8192xf32, #tpu.memory_space<hbm>>
      %dma_wait3A_21 = tpu.memref_slice %arg11[%mul3A_2] : memref<262144xf32, #tpu.memory_space<hbm>> -> memref<8192xf32, #tpu.memory_space<hbm>>
      tpu.wait_dma2 semaphore(%run_scoped3A : memref<!tpu.dma_semaphore, #tpu.memory_space<semaphore_mem>>) src(%arg21 : memref<8192xf32, #tpu.memory_space<vmem>>) dst(%dma_wait3A_21 : memref<8192xf32, #tpu.memory_space<hbm>>)
      tpu.yield
    }) : () -> ()
    return
  }
}

module attributes {stable_mosaic.version = 14 : i64} {
  func.func @_prologue_body(%arg0: i32, %arg1: i32, %arg2: memref<1x2048x1xf32, #tpu.memory_space<vmem>>, %arg3: memref<1x512x100xf32, #tpu.memory_space<vmem>>, %arg4: memref<100x256xf32, #tpu.memory_space<vmem>>, %arg5: memref<1x256xf32, #tpu.memory_space<vmem>>, %arg6: memref<1x64xf32, #tpu.memory_space<vmem>>, %arg7: memref<1x64xf32, #tpu.memory_space<vmem>>, %arg8: memref<1x512x256xf32, #tpu.memory_space<vmem>>, %arg9: memref<1x2048x64xf32, #tpu.memory_space<vmem>>) attributes {dimension_semantics = [#tpu.dimension_semantics<arbitrary>, #tpu.dimension_semantics<arbitrary>], iteration_bounds = array<i64: 8, 16>, scalar_prefetch = 0 : i64, scratch_operands = 0 : i64, tpu.core_type = #tpu.core_type<tc>, window_params = [{transform_indices = @transform_0, window_bounds = array<i64: 1, 2048, 1>}, {transform_indices = @transform_1, window_bounds = array<i64: 1, 512, 100>}, {pipeline_mode = #tpu.pipeline_mode<synchronous>, transform_indices = @transform_2, window_bounds = array<i64: 100, 256>}, {pipeline_mode = #tpu.pipeline_mode<synchronous>, transform_indices = @transform_3, window_bounds = array<i64: 1, 256>}, {pipeline_mode = #tpu.pipeline_mode<synchronous>, transform_indices = @transform_4, window_bounds = array<i64: 1, 64>}, {pipeline_mode = #tpu.pipeline_mode<synchronous>, transform_indices = @transform_5, window_bounds = array<i64: 1, 64>}, {transform_indices = @transform_6, window_bounds = array<i64: 1, 512, 256>}, {transform_indices = @transform_7, window_bounds = array<i64: 1, 2048, 64>}]} {
    %eq3A = arith.constant 0 : i32
    %eq3A_0 = arith.cmpi eq, %arg1, %eq3A : i32
    %convert_element_type3A = arith.extui %eq3A_0 : i1 to i32
    %cond3A = arith.constant 0 : i32
    %cond3A_1 = arith.cmpi ne, %convert_element_type3A, %cond3A : i32
    scf.if %cond3A_1 {
      %get3A_23 = arith.constant 0 : index
      %get3A_24 = arith.constant 0 : index
      %get3A_25 = arith.constant 0 : index
      %get3A_26 = vector.load %arg3[%get3A_23, %get3A_24, %get3A_25] : memref<1x512x100xf32, #tpu.memory_space<vmem>>, vector<1x512x100xf32>
      %get3A_27 = vector.shape_cast %get3A_26 : vector<1x512x100xf32> to vector<512x100xf32>
      %get3A_28 = arith.constant 0 : index
      %get3A_29 = arith.constant 0 : index
      %get3A_30 = vector.load %arg4[%get3A_28, %get3A_29] : memref<100x256xf32, #tpu.memory_space<vmem>>, vector<100x256xf32>
      %dot_general3A_31 = arith.constant dense<0.000000e+00> : vector<512x256xf32>
      %dot_general3A_32 = tpu.matmul %get3A_27, %get3A_30, %dot_general3A_31 {dimension_numbers = #tpu.dot_dimension_numbers<[1], [0], [0], [1], [0, 0, 1, 1], [], []>, transpose_lhs_hint = false} : vector<512x100xf32>, vector<100x256xf32>, vector<512x256xf32> -> vector<512x256xf32>
      %get3A_33 = arith.constant 0 : index
      %get3A_34 = arith.constant 0 : index
      %get3A_35 = vector.load %arg5[%get3A_33, %get3A_34] : memref<1x256xf32, #tpu.memory_space<vmem>>, vector<1x256xf32>
      %add3A_36 = vector.broadcast %get3A_35 : vector<1x256xf32> to vector<512x256xf32>
      %add3A_37 = arith.addf %dot_general3A_32, %add3A_36 : vector<512x256xf32>
      %swap3A_38 = arith.constant 0 : index
      %swap3A_39 = arith.constant 0 : index
      %swap3A_40 = arith.constant 0 : index
      %swap3A_41 = vector.load %arg8[%swap3A_38, %swap3A_39, %swap3A_40] : memref<1x512x256xf32, #tpu.memory_space<vmem>>, vector<1x512x256xf32>
      %swap3A_42 = vector.shape_cast %swap3A_41 : vector<1x512x256xf32> to vector<512x256xf32>
      %swap3A_43 = vector.shape_cast %add3A_37 : vector<512x256xf32> to vector<1x512x256xf32>
      tpu.vector_store %arg8[%swap3A_38, %swap3A_39, %swap3A_40], %swap3A_43 {strides = array<i32>} : memref<1x512x256xf32, #tpu.memory_space<vmem>>, vector<1x512x256xf32>,
    } else {
    }
    %get3A = arith.constant 0 : index
    %get3A_2 = arith.constant 0 : index
    %get3A_3 = arith.constant 0 : index
    %get3A_4 = vector.load %arg2[%get3A, %get3A_2, %get3A_3] : memref<1x2048x1xf32, #tpu.memory_space<vmem>>, vector<1x2048x1xf32>
    %get3A_5 = vector.shape_cast %get3A_4 : vector<1x2048x1xf32> to vector<2048x1xf32>
    %broadcast_in_dim3A = arith.constant 1.000000e+00 : f32
    %broadcast_in_dim3A_6 = vector.broadcast %broadcast_in_dim3A : f32 to vector<1x64xf32>
    %dot_general3A = arith.constant dense<0.000000e+00> : vector<2048x64xf32>
    %dot_general3A_7 = tpu.matmul %get3A_5, %broadcast_in_dim3A_6, %dot_general3A {dimension_numbers = #tpu.dot_dimension_numbers<[1], [0], [0], [1], [0, 0, 1, 1], [], []>, transpose_lhs_hint = false} : vector<2048x1xf32>, vector<1x64xf32>, vector<2048x64xf32> -> vector<2048x64xf32>
    %get3A_8 = arith.constant 0 : index
    %get3A_9 = arith.constant 0 : index
    %get3A_10 = vector.load %arg6[%get3A_8, %get3A_9] : memref<1x64xf32, #tpu.memory_space<vmem>>, vector<1x64xf32>
    %sub3A = vector.broadcast %get3A_10 : vector<1x64xf32> to vector<2048x64xf32>
    %sub3A_11 = arith.subf %dot_general3A_7, %sub3A : vector<2048x64xf32>
    %integer_pow3A = arith.mulf %sub3A_11, %sub3A_11 : vector<2048x64xf32>
    %mul3A = arith.constant -4.802000e+01 : f32
    %mul3A_12 = vector.broadcast %mul3A : f32 to vector<2048x64xf32>
    %mul3A_13 = arith.mulf %mul3A_12, %integer_pow3A : vector<2048x64xf32>
    %exp3A = math.exp %mul3A_13 : vector<2048x64xf32>
    %get3A_14 = arith.constant 0 : index
    %get3A_15 = arith.constant 0 : index
    %get3A_16 = vector.load %arg7[%get3A_14, %get3A_15] : memref<1x64xf32, #tpu.memory_space<vmem>>, vector<1x64xf32>
    %add3A = vector.broadcast %get3A_16 : vector<1x64xf32> to vector<2048x64xf32>
    %add3A_17 = arith.addf %exp3A, %add3A : vector<2048x64xf32>
    %swap3A = arith.constant 0 : index
    %swap3A_18 = arith.constant 0 : index
    %swap3A_19 = arith.constant 0 : index
    %swap3A_20 = vector.load %arg9[%swap3A, %swap3A_18, %swap3A_19] : memref<1x2048x64xf32, #tpu.memory_space<vmem>>, vector<1x2048x64xf32>
    %swap3A_21 = vector.shape_cast %swap3A_20 : vector<1x2048x64xf32> to vector<2048x64xf32>
    %swap3A_22 = vector.shape_cast %add3A_17 : vector<2048x64xf32> to vector<1x2048x64xf32>
    tpu.vector_store %arg9[%swap3A, %swap3A_18, %swap3A_19], %swap3A_22 {strides = array<i32>} : memref<1x2048x64xf32, #tpu.memory_space<vmem>>, vector<1x2048x64xf32>,
    return
  }
  func.func @transform_0(%arg0: i32, %arg1: i32) -> (i32, i32, i32) {
    %mul3A = arith.constant 16 : i32
    %mul3A_0 = arith.muli %arg0, %mul3A : i32
    %add3A = arith.addi %mul3A_0, %arg1 : i32
    %c0_i32 = arith.constant 0 : i32
    %c0_i32_1 = arith.constant 0 : i32
    %c0_i32_2 = arith.constant 0 : i32
    return %add3A, %c0_i32, %c0_i32_1 : i32, i32, i32
  }
  func.func @transform_1(%arg0: i32, %arg1: i32) -> (i32, i32, i32) {
    %c0_i32 = arith.constant 0 : i32
    %c0_i32_0 = arith.constant 0 : i32
    %c0_i32_1 = arith.constant 0 : i32
    return %arg0, %c0_i32, %c0_i32_0 : i32, i32, i32
  }
  func.func @transform_2(%arg0: i32, %arg1: i32) -> (i32, i32) {
    %c0_i32 = arith.constant 0 : i32
    %c0_i32_0 = arith.constant 0 : i32
    %c0_i32_1 = arith.constant 0 : i32
    return %c0_i32, %c0_i32_0 : i32, i32
  }
  func.func @transform_3(%arg0: i32, %arg1: i32) -> (i32, i32) {
    %c0_i32 = arith.constant 0 : i32
    %c0_i32_0 = arith.constant 0 : i32
    %c0_i32_1 = arith.constant 0 : i32
    return %c0_i32, %c0_i32_0 : i32, i32
  }
  func.func @transform_4(%arg0: i32, %arg1: i32) -> (i32, i32) {
    %c0_i32 = arith.constant 0 : i32
    %c0_i32_0 = arith.constant 0 : i32
    %c0_i32_1 = arith.constant 0 : i32
    return %c0_i32, %c0_i32_0 : i32, i32
  }
  func.func @transform_5(%arg0: i32, %arg1: i32) -> (i32, i32) {
    %c0_i32 = arith.constant 0 : i32
    %c0_i32_0 = arith.constant 0 : i32
    %c0_i32_1 = arith.constant 0 : i32
    return %c0_i32, %c0_i32_0 : i32, i32
  }
  func.func @transform_6(%arg0: i32, %arg1: i32) -> (i32, i32, i32) {
    %c0_i32 = arith.constant 0 : i32
    %c0_i32_0 = arith.constant 0 : i32
    %c0_i32_1 = arith.constant 0 : i32
    return %arg0, %c0_i32, %c0_i32_0 : i32, i32, i32
  }
  func.func @transform_7(%arg0: i32, %arg1: i32) -> (i32, i32, i32) {
    %mul3A = arith.constant 16 : i32
    %mul3A_0 = arith.muli %arg0, %mul3A : i32
    %add3A = arith.addi %mul3A_0, %arg1 : i32
    %c0_i32 = arith.constant 0 : i32
    %c0_i32_1 = arith.constant 0 : i32
    %c0_i32_2 = arith.constant 0 : i32
    return %add3A, %c0_i32, %c0_i32_1 : i32, i32, i32
  }
}

module attributes {stable_mosaic.version = 14 : i64} {
  func.func @_interaction_body(%arg0: i32, %arg1: i32, %arg2: memref<1x512x256xf32, #tpu.memory_space<vmem>>, %arg3: memref<1x2048x64xf32, #tpu.memory_space<vmem>>, %arg4: memref<1x1x2048xf32, #tpu.memory_space<vmem>>, %arg5: memref<1x2048x1xi32, #tpu.memory_space<vmem>>, %arg6: memref<1x512xi32, #tpu.memory_space<vmem>>, %arg7: memref<32x2048xf32, #tpu.memory_space<vmem>>, %arg8: memref<64x256xf32, #tpu.memory_space<vmem>>, %arg9: memref<256x256xf32, #tpu.memory_space<vmem>>, %arg10: memref<1x256xf32, #tpu.memory_space<vmem>>, %arg11: memref<256x256xf32, #tpu.memory_space<vmem>>, %arg12: memref<256x256xf32, #tpu.memory_space<vmem>>, %arg13: memref<1x256xf32, #tpu.memory_space<vmem>>, %arg14: memref<256x256xf32, #tpu.memory_space<vmem>>, %arg15: memref<1x256xf32, #tpu.memory_space<vmem>>, %arg16: memref<1x32x256xf32, #tpu.memory_space<vmem>>, %arg17: memref<512x256xbf16, #tpu.memory_space<vmem>>) attributes {dimension_semantics = [#tpu.dimension_semantics<arbitrary>, #tpu.dimension_semantics<arbitrary>], iteration_bounds = array<i64: 8, 16>, scalar_prefetch = 0 : i64, scratch_operands = 1 : i64, tpu.core_type = #tpu.core_type<tc>, window_params = [{transform_indices = @transform_0, window_bounds = array<i64: 1, 512, 256>}, {transform_indices = @transform_1, window_bounds = array<i64: 1, 2048, 64>}, {transform_indices = @transform_2, window_bounds = array<i64: 1, 1, 2048>}, {transform_indices = @transform_3, window_bounds = array<i64: 1, 2048, 1>}, {pipeline_mode = #tpu.pipeline_mode<synchronous>, transform_indices = @transform_4, window_bounds = array<i64: 1, 512>}, {pipeline_mode = #tpu.pipeline_mode<synchronous>, transform_indices = @transform_5, window_bounds = array<i64: 32, 2048>}, {pipeline_mode = #tpu.pipeline_mode<synchronous>, transform_indices = @transform_6, window_bounds = array<i64: 64, 256>}, {pipeline_mode = #tpu.pipeline_mode<synchronous>, transform_indices = @transform_7, window_bounds = array<i64: 256, 256>}, {pipeline_mode = #tpu.pipeline_mode<synchronous>, transform_indices = @transform_8, window_bounds = array<i64: 1, 256>}, {pipeline_mode = #tpu.pipeline_mode<synchronous>, transform_indices = @transform_9, window_bounds = array<i64: 256, 256>}, {pipeline_mode = #tpu.pipeline_mode<synchronous>, transform_indices = @transform_10, window_bounds = array<i64: 256, 256>}, {pipeline_mode = #tpu.pipeline_mode<synchronous>, transform_indices = @transform_11, window_bounds = array<i64: 1, 256>}, {pipeline_mode = #tpu.pipeline_mode<synchronous>, transform_indices = @transform_12, window_bounds = array<i64: 256, 256>}, {pipeline_mode = #tpu.pipeline_mode<synchronous>, transform_indices = @transform_13, window_bounds = array<i64: 1, 256>}, {transform_indices = @transform_14, window_bounds = array<i64: 1, 32, 256>}]} {
    %eq3A = arith.constant 0 : i32
    %eq3A_0 = arith.cmpi eq, %arg1, %eq3A : i32
    %convert_element_type3A = arith.extui %eq3A_0 : i1 to i32
    %cond3A = arith.constant 0 : i32
    %cond3A_1 = arith.cmpi ne, %convert_element_type3A, %cond3A : i32
    scf.if %cond3A_1 {
      %get3A_109 = arith.constant 0 : index
      %get3A_110 = arith.constant 0 : index
      %get3A_111 = arith.constant 0 : index
      %get3A_112 = vector.load %arg2[%get3A_109, %get3A_110, %get3A_111] : memref<1x512x256xf32, #tpu.memory_space<vmem>>, vector<1x512x256xf32>
      %get3A_113 = vector.shape_cast %get3A_112 : vector<1x512x256xf32> to vector<512x256xf32>
      %get3A_114 = arith.constant 0 : index
      %get3A_115 = arith.constant 0 : index
      %get3A_116 = vector.load %arg11[%get3A_114, %get3A_115] : memref<256x256xf32, #tpu.memory_space<vmem>>, vector<256x256xf32>
      %dot_general3A_117 = arith.constant dense<0.000000e+00> : vector<512x256xf32>
      %dot_general3A_118 = tpu.matmul %get3A_113, %get3A_116, %dot_general3A_117 {dimension_numbers = #tpu.dot_dimension_numbers<[1], [0], [0], [1], [0, 0, 1, 1], [], []>, transpose_lhs_hint = false} : vector<512x256xf32>, vector<256x256xf32>, vector<512x256xf32> -> vector<512x256xf32>
      %convert_element_type3A_119 = arith.truncf %dot_general3A_118 : vector<512x256xf32> to vector<512x256xbf16>
      %swap3A_120 = arith.constant 0 : index
      %swap3A_121 = arith.constant 0 : index
      %swap3A_122 = vector.load %arg17[%swap3A_120, %swap3A_121] : memref<512x256xbf16, #tpu.memory_space<vmem>>, vector<512x256xbf16>
      tpu.vector_store %arg17[%swap3A_120, %swap3A_121], %convert_element_type3A_119 {strides = array<i32>} : memref<512x256xbf16, #tpu.memory_space<vmem>>, vector<512x256xbf16>,
    } else {
    }
    %get3A = arith.constant 0 : index
    %get3A_2 = arith.constant 0 : index
    %get3A_3 = arith.constant 0 : index
    %get3A_4 = vector.load %arg3[%get3A, %get3A_2, %get3A_3] : memref<1x2048x64xf32, #tpu.memory_space<vmem>>, vector<1x2048x64xf32>
    %get3A_5 = vector.shape_cast %get3A_4 : vector<1x2048x64xf32> to vector<2048x64xf32>
    %get3A_6 = arith.constant 0 : index
    %get3A_7 = arith.constant 0 : index
    %get3A_8 = vector.load %arg8[%get3A_6, %get3A_7] : memref<64x256xf32, #tpu.memory_space<vmem>>, vector<64x256xf32>
    %dot_general3A = arith.constant dense<0.000000e+00> : vector<2048x256xf32>
    %dot_general3A_9 = tpu.matmul %get3A_5, %get3A_8, %dot_general3A {dimension_numbers = #tpu.dot_dimension_numbers<[1], [0], [0], [1], [0, 0, 1, 1], [], []>, transpose_lhs_hint = false} : vector<2048x64xf32>, vector<64x256xf32>, vector<2048x256xf32> -> vector<2048x256xf32>
    %custom_jvp_call3A = arith.constant 0.000000e+00 : f32
    %max3A = vector.broadcast %custom_jvp_call3A : f32 to vector<2048x256xf32>
    %max3A_10 = arith.maximumf %dot_general3A_9, %max3A : vector<2048x256xf32>
    %sub3A = vector.broadcast %custom_jvp_call3A : f32 to vector<2048x256xf32>
    %sub3A_11 = arith.subf %dot_general3A_9, %sub3A : vector<2048x256xf32>
    %ne3A = arith.cmpf one, %sub3A_11, %sub3A_11 : vector<2048x256xf32>
    %add3A = vector.broadcast %custom_jvp_call3A : f32 to vector<2048x256xf32>
    %add3A_12 = arith.addf %dot_general3A_9, %add3A : vector<2048x256xf32>
    %abs3A = math.absf %sub3A_11 : vector<2048x256xf32>
    %neg3A = arith.constant 0.000000e+00 : f32
    %neg3A_13 = vector.broadcast %neg3A : f32 to vector<2048x256xf32>
    %neg3A_14 = arith.subf %neg3A_13, %abs3A : vector<2048x256xf32>
    %exp3A = math.exp %neg3A_14 : vector<2048x256xf32>
    %log1p3A = math.log1p %exp3A : vector<2048x256xf32>
    %add3A_15 = arith.addf %max3A_10, %log1p3A : vector<2048x256xf32>
    %select_n3A = arith.select %ne3A, %add3A_12, %add3A_15 : vector<2048x256xi1>, vector<2048x256xf32>
    %get3A_16 = arith.constant 0 : index
    %get3A_17 = arith.constant 0 : index
    %get3A_18 = vector.load %arg9[%get3A_16, %get3A_17] : memref<256x256xf32, #tpu.memory_space<vmem>>, vector<256x256xf32>
    %dot_general3A_19 = arith.constant dense<0.000000e+00> : vector<2048x256xf32>
    %dot_general3A_20 = tpu.matmul %select_n3A, %get3A_18, %dot_general3A_19 {dimension_numbers = #tpu.dot_dimension_numbers<[1], [0], [0], [1], [0, 0, 1, 1], [], []>, transpose_lhs_hint = false} : vector<2048x256xf32>, vector<256x256xf32>, vector<2048x256xf32> -> vector<2048x256xf32>
    %get3A_21 = arith.constant 0 : index
    %get3A_22 = arith.constant 0 : index
    %get3A_23 = vector.load %arg10[%get3A_21, %get3A_22] : memref<1x256xf32, #tpu.memory_space<vmem>>, vector<1x256xf32>
    %add3A_24 = vector.broadcast %get3A_23 : vector<1x256xf32> to vector<2048x256xf32>
    %add3A_25 = arith.addf %dot_general3A_20, %add3A_24 : vector<2048x256xf32>
    %get3A_26 = arith.constant 0 : index
    %get3A_27 = arith.constant 0 : index
    %get3A_28 = arith.constant 0 : index
    %get3A_29 = vector.load %arg5[%get3A_26, %get3A_27, %get3A_28] : memref<1x2048x1xi32, #tpu.memory_space<vmem>>, vector<1x2048x1xi32>
    %get3A_30 = vector.shape_cast %get3A_29 : vector<1x2048x1xi32> to vector<2048x1xi32>
    %get3A_31 = arith.constant 0 : index
    %get3A_32 = arith.constant 0 : index
    %get3A_33 = vector.load %arg6[%get3A_31, %get3A_32] : memref<1x512xi32, #tpu.memory_space<vmem>>, vector<1x512xi32>
    %eq3A_34 = vector.broadcast %get3A_30 : vector<2048x1xi32> to vector<2048x512xi32>
    %eq3A_35 = vector.broadcast %get3A_33 : vector<1x512xi32> to vector<2048x512xi32>
    %eq3A_36 = arith.cmpi eq, %eq3A_34, %eq3A_35 : vector<2048x512xi32>
    %convert_element_type3A_37 = arith.extui %eq3A_36 : vector<2048x512xi1> to vector<2048x512xi32>
    %convert_element_type3A_38 = arith.sitofp %convert_element_type3A_37 : vector<2048x512xi32> to vector<2048x512xf32>
    %convert_element_type3A_39 = arith.truncf %convert_element_type3A_38 : vector<2048x512xf32> to vector<2048x512xbf16>
    %get3A_40 = arith.constant 0 : index
    %get3A_41 = arith.constant 0 : index
    %get3A_42 = vector.load %arg17[%get3A_40, %get3A_41] : memref<512x256xbf16, #tpu.memory_space<vmem>>, vector<512x256xbf16>
    %dot_general3A_43 = arith.constant dense<0.000000e+00> : vector<2048x256xf32>
    %dot_general3A_44 = tpu.matmul %convert_element_type3A_39, %get3A_42, %dot_general3A_43 {dimension_numbers = #tpu.dot_dimension_numbers<[1], [0], [0], [1], [0, 0, 1, 1], [], []>, transpose_lhs_hint = false} : vector<2048x512xbf16>, vector<512x256xbf16>, vector<2048x256xf32> -> vector<2048x256xf32>
    %get3A_45 = arith.constant 0 : index
    %get3A_46 = arith.constant 0 : index
    %get3A_47 = vector.load %arg7[%get3A_45, %get3A_46] : memref<32x2048xf32, #tpu.memory_space<vmem>>, vector<32x2048xf32>
    %get3A_48 = arith.constant 0 : index
    %get3A_49 = arith.constant 0 : index
    %get3A_50 = arith.constant 0 : index
    %get3A_51 = vector.load %arg4[%get3A_48, %get3A_49, %get3A_50] : memref<1x1x2048xf32, #tpu.memory_space<vmem>>, vector<1x1x2048xf32>
    %get3A_52 = vector.shape_cast %get3A_51 : vector<1x1x2048xf32> to vector<1x2048xf32>
    %mul3A = vector.broadcast %get3A_52 : vector<1x2048xf32> to vector<32x2048xf32>
    %mul3A_53 = arith.mulf %get3A_47, %mul3A : vector<32x2048xf32>
    %mul3A_54 = arith.mulf %dot_general3A_44, %add3A_25 : vector<2048x256xf32>
    %dot_general3A_55 = arith.constant dense<0.000000e+00> : vector<32x256xf32>
    %dot_general3A_56 = tpu.matmul %mul3A_53, %mul3A_54, %dot_general3A_55 {dimension_numbers = #tpu.dot_dimension_numbers<[1], [0], [0], [1], [0, 0, 1, 1], [], []>, transpose_lhs_hint = false} : vector<32x2048xf32>, vector<2048x256xf32>, vector<32x256xf32> -> vector<32x256xf32>
    %get3A_57 = arith.constant 0 : index
    %get3A_58 = arith.constant 0 : index
    %get3A_59 = vector.load %arg12[%get3A_57, %get3A_58] : memref<256x256xf32, #tpu.memory_space<vmem>>, vector<256x256xf32>
    %dot_general3A_60 = arith.constant dense<0.000000e+00> : vector<32x256xf32>
    %dot_general3A_61 = tpu.matmul %dot_general3A_56, %get3A_59, %dot_general3A_60 {dimension_numbers = #tpu.dot_dimension_numbers<[1], [0], [0], [1], [0, 0, 1, 1], [], []>, transpose_lhs_hint = false} : vector<32x256xf32>, vector<256x256xf32>, vector<32x256xf32> -> vector<32x256xf32>
    %get3A_62 = arith.constant 0 : index
    %get3A_63 = arith.constant 0 : index
    %get3A_64 = vector.load %arg13[%get3A_62, %get3A_63] : memref<1x256xf32, #tpu.memory_space<vmem>>, vector<1x256xf32>
    %add3A_65 = vector.broadcast %get3A_64 : vector<1x256xf32> to vector<32x256xf32>
    %add3A_66 = arith.addf %dot_general3A_61, %add3A_65 : vector<32x256xf32>
    %custom_jvp_call3A_67 = arith.constant 0.000000e+00 : f32
    %max3A_68 = vector.broadcast %custom_jvp_call3A_67 : f32 to vector<32x256xf32>
    %max3A_69 = arith.maximumf %add3A_66, %max3A_68 : vector<32x256xf32>
    %sub3A_70 = vector.broadcast %custom_jvp_call3A_67 : f32 to vector<32x256xf32>
    %sub3A_71 = arith.subf %add3A_66, %sub3A_70 : vector<32x256xf32>
    %ne3A_72 = arith.cmpf one, %sub3A_71, %sub3A_71 : vector<32x256xf32>
    %add3A_73 = vector.broadcast %custom_jvp_call3A_67 : f32 to vector<32x256xf32>
    %add3A_74 = arith.addf %add3A_66, %add3A_73 : vector<32x256xf32>
    %abs3A_75 = math.absf %sub3A_71 : vector<32x256xf32>
    %neg3A_76 = arith.constant 0.000000e+00 : f32
    %neg3A_77 = vector.broadcast %neg3A_76 : f32 to vector<32x256xf32>
    %neg3A_78 = arith.subf %neg3A_77, %abs3A_75 : vector<32x256xf32>
    %exp3A_79 = math.exp %neg3A_78 : vector<32x256xf32>
    %log1p3A_80 = math.log1p %exp3A_79 : vector<32x256xf32>
    %add3A_81 = arith.addf %max3A_69, %log1p3A_80 : vector<32x256xf32>
    %select_n3A_82 = arith.select %ne3A_72, %add3A_74, %add3A_81 : vector<32x256xi1>, vector<32x256xf32>
    %sub3A_83 = arith.constant 0.693147182 : f32
    %sub3A_84 = vector.broadcast %sub3A_83 : f32 to vector<32x256xf32>
    %sub3A_85 = arith.subf %select_n3A_82, %sub3A_84 : vector<32x256xf32>
    %get3A_86 = arith.constant 0 : index
    %get3A_87 = arith.constant 0 : index
    %get3A_88 = vector.load %arg14[%get3A_86, %get3A_87] : memref<256x256xf32, #tpu.memory_space<vmem>>, vector<256x256xf32>
    %dot_general3A_89 = arith.constant dense<0.000000e+00> : vector<32x256xf32>
    %dot_general3A_90 = tpu.matmul %sub3A_85, %get3A_88, %dot_general3A_89 {dimension_numbers = #tpu.dot_dimension_numbers<[1], [0], [0], [1], [0, 0, 1, 1], [], []>, transpose_lhs_hint = false} : vector<32x256xf32>, vector<256x256xf32>, vector<32x256xf32> -> vector<32x256xf32>
    %get3A_91 = arith.constant 0 : index
    %get3A_92 = arith.constant 0 : index
    %get3A_93 = vector.load %arg15[%get3A_91, %get3A_92] : memref<1x256xf32, #tpu.memory_space<vmem>>, vector<1x256xf32>
    %add3A_94 = vector.broadcast %get3A_93 : vector<1x256xf32> to vector<32x256xf32>
    %add3A_95 = arith.addf %dot_general3A_90, %add3A_94 : vector<32x256xf32>
    %mul3A_96 = arith.constant 32 : i32
    %mul3A_97 = arith.muli %arg1, %mul3A_96 : i32
    %get3A_98 = arith.constant 0 : index
    %get3A_99 = arith.index_cast %mul3A_97 : i32 to index
    %get3A_100 = arith.constant 0 : index
    %get3A_101 = vector.load %arg2[%get3A_98, %get3A_99, %get3A_100] : memref<1x512x256xf32, #tpu.memory_space<vmem>>, vector<1x32x256xf32>
    %get3A_102 = vector.shape_cast %get3A_101 : vector<1x32x256xf32> to vector<32x256xf32>
    %add3A_103 = arith.addf %get3A_102, %add3A_95 : vector<32x256xf32>
    %swap3A = arith.constant 0 : index
    %swap3A_104 = arith.constant 0 : index
    %swap3A_105 = arith.constant 0 : index
    %swap3A_106 = vector.load %arg16[%swap3A, %swap3A_104, %swap3A_105] : memref<1x32x256xf32, #tpu.memory_space<vmem>>, vector<1x32x256xf32>
    %swap3A_107 = vector.shape_cast %swap3A_106 : vector<1x32x256xf32> to vector<32x256xf32>
    %swap3A_108 = vector.shape_cast %add3A_103 : vector<32x256xf32> to vector<1x32x256xf32>
    tpu.vector_store %arg16[%swap3A, %swap3A_104, %swap3A_105], %swap3A_108 {strides = array<i32>} : memref<1x32x256xf32, #tpu.memory_space<vmem>>, vector<1x32x256xf32>,
    return
  }
  func.func @transform_0(%arg0: i32, %arg1: i32) -> (i32, i32, i32) {
    %c0_i32 = arith.constant 0 : i32
    %c0_i32_0 = arith.constant 0 : i32
    %c0_i32_1 = arith.constant 0 : i32
    return %arg0, %c0_i32, %c0_i32_0 : i32, i32, i32
  }
  func.func @transform_1(%arg0: i32, %arg1: i32) -> (i32, i32, i32) {
    %mul3A = arith.constant 16 : i32
    %mul3A_0 = arith.muli %arg0, %mul3A : i32
    %add3A = arith.addi %mul3A_0, %arg1 : i32
    %c0_i32 = arith.constant 0 : i32
    %c0_i32_1 = arith.constant 0 : i32
    %c0_i32_2 = arith.constant 0 : i32
    return %add3A, %c0_i32, %c0_i32_1 : i32, i32, i32
  }
  func.func @transform_2(%arg0: i32, %arg1: i32) -> (i32, i32, i32) {
    %mul3A = arith.constant 16 : i32
    %mul3A_0 = arith.muli %arg0, %mul3A : i32
    %add3A = arith.addi %mul3A_0, %arg1 : i32
    %c0_i32 = arith.constant 0 : i32
    %c0_i32_1 = arith.constant 0 : i32
    %c0_i32_2 = arith.constant 0 : i32
    return %add3A, %c0_i32, %c0_i32_1 : i32, i32, i32
  }
  func.func @transform_3(%arg0: i32, %arg1: i32) -> (i32, i32, i32) {
    %mul3A = arith.constant 16 : i32
    %mul3A_0 = arith.muli %arg0, %mul3A : i32
    %add3A = arith.addi %mul3A_0, %arg1 : i32
    %c0_i32 = arith.constant 0 : i32
    %c0_i32_1 = arith.constant 0 : i32
    %c0_i32_2 = arith.constant 0 : i32
    return %add3A, %c0_i32, %c0_i32_1 : i32, i32, i32
  }
  func.func @transform_4(%arg0: i32, %arg1: i32) -> (i32, i32) {
    %c0_i32 = arith.constant 0 : i32
    %c0_i32_0 = arith.constant 0 : i32
    %c0_i32_1 = arith.constant 0 : i32
    return %c0_i32, %c0_i32_0 : i32, i32
  }
  func.func @transform_5(%arg0: i32, %arg1: i32) -> (i32, i32) {
    %c0_i32 = arith.constant 0 : i32
    %c0_i32_0 = arith.constant 0 : i32
    %c0_i32_1 = arith.constant 0 : i32
    return %c0_i32, %c0_i32_0 : i32, i32
  }
  func.func @transform_6(%arg0: i32, %arg1: i32) -> (i32, i32) {
    %c0_i32 = arith.constant 0 : i32
    %c0_i32_0 = arith.constant 0 : i32
    %c0_i32_1 = arith.constant 0 : i32
    return %c0_i32, %c0_i32_0 : i32, i32
  }
  func.func @transform_7(%arg0: i32, %arg1: i32) -> (i32, i32) {
    %c0_i32 = arith.constant 0 : i32
    %c0_i32_0 = arith.constant 0 : i32
    %c0_i32_1 = arith.constant 0 : i32
    return %c0_i32, %c0_i32_0 : i32, i32
  }
  func.func @transform_8(%arg0: i32, %arg1: i32) -> (i32, i32) {
    %c0_i32 = arith.constant 0 : i32
    %c0_i32_0 = arith.constant 0 : i32
    %c0_i32_1 = arith.constant 0 : i32
    return %c0_i32, %c0_i32_0 : i32, i32
  }
  func.func @transform_9(%arg0: i32, %arg1: i32) -> (i32, i32) {
    %c0_i32 = arith.constant 0 : i32
    %c0_i32_0 = arith.constant 0 : i32
    %c0_i32_1 = arith.constant 0 : i32
    return %c0_i32, %c0_i32_0 : i32, i32
  }
  func.func @transform_10(%arg0: i32, %arg1: i32) -> (i32, i32) {
    %c0_i32 = arith.constant 0 : i32
    %c0_i32_0 = arith.constant 0 : i32
    %c0_i32_1 = arith.constant 0 : i32
    return %c0_i32, %c0_i32_0 : i32, i32
  }
  func.func @transform_11(%arg0: i32, %arg1: i32) -> (i32, i32) {
    %c0_i32 = arith.constant 0 : i32
    %c0_i32_0 = arith.constant 0 : i32
    %c0_i32_1 = arith.constant 0 : i32
    return %c0_i32, %c0_i32_0 : i32, i32
  }
  func.func @transform_12(%arg0: i32, %arg1: i32) -> (i32, i32) {
    %c0_i32 = arith.constant 0 : i32
    %c0_i32_0 = arith.constant 0 : i32
    %c0_i32_1 = arith.constant 0 : i32
    return %c0_i32, %c0_i32_0 : i32, i32
  }
  func.func @transform_13(%arg0: i32, %arg1: i32) -> (i32, i32) {
    %c0_i32 = arith.constant 0 : i32
    %c0_i32_0 = arith.constant 0 : i32
    %c0_i32_1 = arith.constant 0 : i32
    return %c0_i32, %c0_i32_0 : i32, i32
  }
  func.func @transform_14(%arg0: i32, %arg1: i32) -> (i32, i32, i32) {
    %c0_i32 = arith.constant 0 : i32
    %c0_i32_0 = arith.constant 0 : i32
    return %arg0, %arg1, %c0_i32 : i32, i32, i32
  }
}

module attributes {stable_mosaic.version = 14 : i64} {
  func.func @_interaction_body(%arg0: i32, %arg1: i32, %arg2: memref<1x512x256xf32, #tpu.memory_space<vmem>>, %arg3: memref<1x2048x64xf32, #tpu.memory_space<vmem>>, %arg4: memref<1x1x2048xf32, #tpu.memory_space<vmem>>, %arg5: memref<1x2048x1xi32, #tpu.memory_space<vmem>>, %arg6: memref<1x512xi32, #tpu.memory_space<vmem>>, %arg7: memref<32x2048xf32, #tpu.memory_space<vmem>>, %arg8: memref<64x256xf32, #tpu.memory_space<vmem>>, %arg9: memref<256x256xf32, #tpu.memory_space<vmem>>, %arg10: memref<1x256xf32, #tpu.memory_space<vmem>>, %arg11: memref<256x256xf32, #tpu.memory_space<vmem>>, %arg12: memref<256x256xf32, #tpu.memory_space<vmem>>, %arg13: memref<1x256xf32, #tpu.memory_space<vmem>>, %arg14: memref<256x256xf32, #tpu.memory_space<vmem>>, %arg15: memref<1x256xf32, #tpu.memory_space<vmem>>, %arg16: memref<1x32x256xf32, #tpu.memory_space<vmem>>, %arg17: memref<512x256xbf16, #tpu.memory_space<vmem>>) attributes {dimension_semantics = [#tpu.dimension_semantics<arbitrary>, #tpu.dimension_semantics<arbitrary>], iteration_bounds = array<i64: 8, 16>, scalar_prefetch = 0 : i64, scratch_operands = 1 : i64, tpu.core_type = #tpu.core_type<tc>, window_params = [{transform_indices = @transform_0, window_bounds = array<i64: 1, 512, 256>}, {transform_indices = @transform_1, window_bounds = array<i64: 1, 2048, 64>}, {transform_indices = @transform_2, window_bounds = array<i64: 1, 1, 2048>}, {transform_indices = @transform_3, window_bounds = array<i64: 1, 2048, 1>}, {pipeline_mode = #tpu.pipeline_mode<synchronous>, transform_indices = @transform_4, window_bounds = array<i64: 1, 512>}, {pipeline_mode = #tpu.pipeline_mode<synchronous>, transform_indices = @transform_5, window_bounds = array<i64: 32, 2048>}, {pipeline_mode = #tpu.pipeline_mode<synchronous>, transform_indices = @transform_6, window_bounds = array<i64: 64, 256>}, {pipeline_mode = #tpu.pipeline_mode<synchronous>, transform_indices = @transform_7, window_bounds = array<i64: 256, 256>}, {pipeline_mode = #tpu.pipeline_mode<synchronous>, transform_indices = @transform_8, window_bounds = array<i64: 1, 256>}, {pipeline_mode = #tpu.pipeline_mode<synchronous>, transform_indices = @transform_9, window_bounds = array<i64: 256, 256>}, {pipeline_mode = #tpu.pipeline_mode<synchronous>, transform_indices = @transform_10, window_bounds = array<i64: 256, 256>}, {pipeline_mode = #tpu.pipeline_mode<synchronous>, transform_indices = @transform_11, window_bounds = array<i64: 1, 256>}, {pipeline_mode = #tpu.pipeline_mode<synchronous>, transform_indices = @transform_12, window_bounds = array<i64: 256, 256>}, {pipeline_mode = #tpu.pipeline_mode<synchronous>, transform_indices = @transform_13, window_bounds = array<i64: 1, 256>}, {transform_indices = @transform_14, window_bounds = array<i64: 1, 32, 256>}]} {
    %eq3A = arith.constant 0 : i32
    %eq3A_0 = arith.cmpi eq, %arg1, %eq3A : i32
    %convert_element_type3A = arith.extui %eq3A_0 : i1 to i32
    %cond3A = arith.constant 0 : i32
    %cond3A_1 = arith.cmpi ne, %convert_element_type3A, %cond3A : i32
    scf.if %cond3A_1 {
      %get3A_109 = arith.constant 0 : index
      %get3A_110 = arith.constant 0 : index
      %get3A_111 = arith.constant 0 : index
      %get3A_112 = vector.load %arg2[%get3A_109, %get3A_110, %get3A_111] : memref<1x512x256xf32, #tpu.memory_space<vmem>>, vector<1x512x256xf32>
      %get3A_113 = vector.shape_cast %get3A_112 : vector<1x512x256xf32> to vector<512x256xf32>
      %get3A_114 = arith.constant 0 : index
      %get3A_115 = arith.constant 0 : index
      %get3A_116 = vector.load %arg11[%get3A_114, %get3A_115] : memref<256x256xf32, #tpu.memory_space<vmem>>, vector<256x256xf32>
      %dot_general3A_117 = arith.constant dense<0.000000e+00> : vector<512x256xf32>
      %dot_general3A_118 = tpu.matmul %get3A_113, %get3A_116, %dot_general3A_117 {dimension_numbers = #tpu.dot_dimension_numbers<[1], [0], [0], [1], [0, 0, 1, 1], [], []>, transpose_lhs_hint = false} : vector<512x256xf32>, vector<256x256xf32>, vector<512x256xf32> -> vector<512x256xf32>
      %convert_element_type3A_119 = arith.truncf %dot_general3A_118 : vector<512x256xf32> to vector<512x256xbf16>
      %swap3A_120 = arith.constant 0 : index
      %swap3A_121 = arith.constant 0 : index
      %swap3A_122 = vector.load %arg17[%swap3A_120, %swap3A_121] : memref<512x256xbf16, #tpu.memory_space<vmem>>, vector<512x256xbf16>
      tpu.vector_store %arg17[%swap3A_120, %swap3A_121], %convert_element_type3A_119 {strides = array<i32>} : memref<512x256xbf16, #tpu.memory_space<vmem>>, vector<512x256xbf16>,
    } else {
    }
    %get3A = arith.constant 0 : index
    %get3A_2 = arith.constant 0 : index
    %get3A_3 = arith.constant 0 : index
    %get3A_4 = vector.load %arg3[%get3A, %get3A_2, %get3A_3] : memref<1x2048x64xf32, #tpu.memory_space<vmem>>, vector<1x2048x64xf32>
    %get3A_5 = vector.shape_cast %get3A_4 : vector<1x2048x64xf32> to vector<2048x64xf32>
    %get3A_6 = arith.constant 0 : index
    %get3A_7 = arith.constant 0 : index
    %get3A_8 = vector.load %arg8[%get3A_6, %get3A_7] : memref<64x256xf32, #tpu.memory_space<vmem>>, vector<64x256xf32>
    %dot_general3A = arith.constant dense<0.000000e+00> : vector<2048x256xf32>
    %dot_general3A_9 = tpu.matmul %get3A_5, %get3A_8, %dot_general3A {dimension_numbers = #tpu.dot_dimension_numbers<[1], [0], [0], [1], [0, 0, 1, 1], [], []>, transpose_lhs_hint = false} : vector<2048x64xf32>, vector<64x256xf32>, vector<2048x256xf32> -> vector<2048x256xf32>
    %custom_jvp_call3A = arith.constant 0.000000e+00 : f32
    %max3A = vector.broadcast %custom_jvp_call3A : f32 to vector<2048x256xf32>
    %max3A_10 = arith.maximumf %dot_general3A_9, %max3A : vector<2048x256xf32>
    %sub3A = vector.broadcast %custom_jvp_call3A : f32 to vector<2048x256xf32>
    %sub3A_11 = arith.subf %dot_general3A_9, %sub3A : vector<2048x256xf32>
    %ne3A = arith.cmpf one, %sub3A_11, %sub3A_11 : vector<2048x256xf32>
    %add3A = vector.broadcast %custom_jvp_call3A : f32 to vector<2048x256xf32>
    %add3A_12 = arith.addf %dot_general3A_9, %add3A : vector<2048x256xf32>
    %abs3A = math.absf %sub3A_11 : vector<2048x256xf32>
    %neg3A = arith.constant 0.000000e+00 : f32
    %neg3A_13 = vector.broadcast %neg3A : f32 to vector<2048x256xf32>
    %neg3A_14 = arith.subf %neg3A_13, %abs3A : vector<2048x256xf32>
    %exp3A = math.exp %neg3A_14 : vector<2048x256xf32>
    %log1p3A = math.log1p %exp3A : vector<2048x256xf32>
    %add3A_15 = arith.addf %max3A_10, %log1p3A : vector<2048x256xf32>
    %select_n3A = arith.select %ne3A, %add3A_12, %add3A_15 : vector<2048x256xi1>, vector<2048x256xf32>
    %get3A_16 = arith.constant 0 : index
    %get3A_17 = arith.constant 0 : index
    %get3A_18 = vector.load %arg9[%get3A_16, %get3A_17] : memref<256x256xf32, #tpu.memory_space<vmem>>, vector<256x256xf32>
    %dot_general3A_19 = arith.constant dense<0.000000e+00> : vector<2048x256xf32>
    %dot_general3A_20 = tpu.matmul %select_n3A, %get3A_18, %dot_general3A_19 {dimension_numbers = #tpu.dot_dimension_numbers<[1], [0], [0], [1], [0, 0, 1, 1], [], []>, transpose_lhs_hint = false} : vector<2048x256xf32>, vector<256x256xf32>, vector<2048x256xf32> -> vector<2048x256xf32>
    %get3A_21 = arith.constant 0 : index
    %get3A_22 = arith.constant 0 : index
    %get3A_23 = vector.load %arg10[%get3A_21, %get3A_22] : memref<1x256xf32, #tpu.memory_space<vmem>>, vector<1x256xf32>
    %add3A_24 = vector.broadcast %get3A_23 : vector<1x256xf32> to vector<2048x256xf32>
    %add3A_25 = arith.addf %dot_general3A_20, %add3A_24 : vector<2048x256xf32>
    %get3A_26 = arith.constant 0 : index
    %get3A_27 = arith.constant 0 : index
    %get3A_28 = arith.constant 0 : index
    %get3A_29 = vector.load %arg5[%get3A_26, %get3A_27, %get3A_28] : memref<1x2048x1xi32, #tpu.memory_space<vmem>>, vector<1x2048x1xi32>
    %get3A_30 = vector.shape_cast %get3A_29 : vector<1x2048x1xi32> to vector<2048x1xi32>
    %get3A_31 = arith.constant 0 : index
    %get3A_32 = arith.constant 0 : index
    %get3A_33 = vector.load %arg6[%get3A_31, %get3A_32] : memref<1x512xi32, #tpu.memory_space<vmem>>, vector<1x512xi32>
    %eq3A_34 = vector.broadcast %get3A_30 : vector<2048x1xi32> to vector<2048x512xi32>
    %eq3A_35 = vector.broadcast %get3A_33 : vector<1x512xi32> to vector<2048x512xi32>
    %eq3A_36 = arith.cmpi eq, %eq3A_34, %eq3A_35 : vector<2048x512xi32>
    %convert_element_type3A_37 = arith.extui %eq3A_36 : vector<2048x512xi1> to vector<2048x512xi32>
    %convert_element_type3A_38 = arith.sitofp %convert_element_type3A_37 : vector<2048x512xi32> to vector<2048x512xf32>
    %convert_element_type3A_39 = arith.truncf %convert_element_type3A_38 : vector<2048x512xf32> to vector<2048x512xbf16>
    %get3A_40 = arith.constant 0 : index
    %get3A_41 = arith.constant 0 : index
    %get3A_42 = vector.load %arg17[%get3A_40, %get3A_41] : memref<512x256xbf16, #tpu.memory_space<vmem>>, vector<512x256xbf16>
    %dot_general3A_43 = arith.constant dense<0.000000e+00> : vector<2048x256xf32>
    %dot_general3A_44 = tpu.matmul %convert_element_type3A_39, %get3A_42, %dot_general3A_43 {dimension_numbers = #tpu.dot_dimension_numbers<[1], [0], [0], [1], [0, 0, 1, 1], [], []>, transpose_lhs_hint = false} : vector<2048x512xbf16>, vector<512x256xbf16>, vector<2048x256xf32> -> vector<2048x256xf32>
    %get3A_45 = arith.constant 0 : index
    %get3A_46 = arith.constant 0 : index
    %get3A_47 = vector.load %arg7[%get3A_45, %get3A_46] : memref<32x2048xf32, #tpu.memory_space<vmem>>, vector<32x2048xf32>
    %get3A_48 = arith.constant 0 : index
    %get3A_49 = arith.constant 0 : index
    %get3A_50 = arith.constant 0 : index
    %get3A_51 = vector.load %arg4[%get3A_48, %get3A_49, %get3A_50] : memref<1x1x2048xf32, #tpu.memory_space<vmem>>, vector<1x1x2048xf32>
    %get3A_52 = vector.shape_cast %get3A_51 : vector<1x1x2048xf32> to vector<1x2048xf32>
    %mul3A = vector.broadcast %get3A_52 : vector<1x2048xf32> to vector<32x2048xf32>
    %mul3A_53 = arith.mulf %get3A_47, %mul3A : vector<32x2048xf32>
    %mul3A_54 = arith.mulf %dot_general3A_44, %add3A_25 : vector<2048x256xf32>
    %dot_general3A_55 = arith.constant dense<0.000000e+00> : vector<32x256xf32>
    %dot_general3A_56 = tpu.matmul %mul3A_53, %mul3A_54, %dot_general3A_55 {dimension_numbers = #tpu.dot_dimension_numbers<[1], [0], [0], [1], [0, 0, 1, 1], [], []>, transpose_lhs_hint = false} : vector<32x2048xf32>, vector<2048x256xf32>, vector<32x256xf32> -> vector<32x256xf32>
    %get3A_57 = arith.constant 0 : index
    %get3A_58 = arith.constant 0 : index
    %get3A_59 = vector.load %arg12[%get3A_57, %get3A_58] : memref<256x256xf32, #tpu.memory_space<vmem>>, vector<256x256xf32>
    %dot_general3A_60 = arith.constant dense<0.000000e+00> : vector<32x256xf32>
    %dot_general3A_61 = tpu.matmul %dot_general3A_56, %get3A_59, %dot_general3A_60 {dimension_numbers = #tpu.dot_dimension_numbers<[1], [0], [0], [1], [0, 0, 1, 1], [], []>, transpose_lhs_hint = false} : vector<32x256xf32>, vector<256x256xf32>, vector<32x256xf32> -> vector<32x256xf32>
    %get3A_62 = arith.constant 0 : index
    %get3A_63 = arith.constant 0 : index
    %get3A_64 = vector.load %arg13[%get3A_62, %get3A_63] : memref<1x256xf32, #tpu.memory_space<vmem>>, vector<1x256xf32>
    %add3A_65 = vector.broadcast %get3A_64 : vector<1x256xf32> to vector<32x256xf32>
    %add3A_66 = arith.addf %dot_general3A_61, %add3A_65 : vector<32x256xf32>
    %custom_jvp_call3A_67 = arith.constant 0.000000e+00 : f32
    %max3A_68 = vector.broadcast %custom_jvp_call3A_67 : f32 to vector<32x256xf32>
    %max3A_69 = arith.maximumf %add3A_66, %max3A_68 : vector<32x256xf32>
    %sub3A_70 = vector.broadcast %custom_jvp_call3A_67 : f32 to vector<32x256xf32>
    %sub3A_71 = arith.subf %add3A_66, %sub3A_70 : vector<32x256xf32>
    %ne3A_72 = arith.cmpf one, %sub3A_71, %sub3A_71 : vector<32x256xf32>
    %add3A_73 = vector.broadcast %custom_jvp_call3A_67 : f32 to vector<32x256xf32>
    %add3A_74 = arith.addf %add3A_66, %add3A_73 : vector<32x256xf32>
    %abs3A_75 = math.absf %sub3A_71 : vector<32x256xf32>
    %neg3A_76 = arith.constant 0.000000e+00 : f32
    %neg3A_77 = vector.broadcast %neg3A_76 : f32 to vector<32x256xf32>
    %neg3A_78 = arith.subf %neg3A_77, %abs3A_75 : vector<32x256xf32>
    %exp3A_79 = math.exp %neg3A_78 : vector<32x256xf32>
    %log1p3A_80 = math.log1p %exp3A_79 : vector<32x256xf32>
    %add3A_81 = arith.addf %max3A_69, %log1p3A_80 : vector<32x256xf32>
    %select_n3A_82 = arith.select %ne3A_72, %add3A_74, %add3A_81 : vector<32x256xi1>, vector<32x256xf32>
    %sub3A_83 = arith.constant 0.693147182 : f32
    %sub3A_84 = vector.broadcast %sub3A_83 : f32 to vector<32x256xf32>
    %sub3A_85 = arith.subf %select_n3A_82, %sub3A_84 : vector<32x256xf32>
    %get3A_86 = arith.constant 0 : index
    %get3A_87 = arith.constant 0 : index
    %get3A_88 = vector.load %arg14[%get3A_86, %get3A_87] : memref<256x256xf32, #tpu.memory_space<vmem>>, vector<256x256xf32>
    %dot_general3A_89 = arith.constant dense<0.000000e+00> : vector<32x256xf32>
    %dot_general3A_90 = tpu.matmul %sub3A_85, %get3A_88, %dot_general3A_89 {dimension_numbers = #tpu.dot_dimension_numbers<[1], [0], [0], [1], [0, 0, 1, 1], [], []>, transpose_lhs_hint = false} : vector<32x256xf32>, vector<256x256xf32>, vector<32x256xf32> -> vector<32x256xf32>
    %get3A_91 = arith.constant 0 : index
    %get3A_92 = arith.constant 0 : index
    %get3A_93 = vector.load %arg15[%get3A_91, %get3A_92] : memref<1x256xf32, #tpu.memory_space<vmem>>, vector<1x256xf32>
    %add3A_94 = vector.broadcast %get3A_93 : vector<1x256xf32> to vector<32x256xf32>
    %add3A_95 = arith.addf %dot_general3A_90, %add3A_94 : vector<32x256xf32>
    %mul3A_96 = arith.constant 32 : i32
    %mul3A_97 = arith.muli %arg1, %mul3A_96 : i32
    %get3A_98 = arith.constant 0 : index
    %get3A_99 = arith.index_cast %mul3A_97 : i32 to index
    %get3A_100 = arith.constant 0 : index
    %get3A_101 = vector.load %arg2[%get3A_98, %get3A_99, %get3A_100] : memref<1x512x256xf32, #tpu.memory_space<vmem>>, vector<1x32x256xf32>
    %get3A_102 = vector.shape_cast %get3A_101 : vector<1x32x256xf32> to vector<32x256xf32>
    %add3A_103 = arith.addf %get3A_102, %add3A_95 : vector<32x256xf32>
    %swap3A = arith.constant 0 : index
    %swap3A_104 = arith.constant 0 : index
    %swap3A_105 = arith.constant 0 : index
    %swap3A_106 = vector.load %arg16[%swap3A, %swap3A_104, %swap3A_105] : memref<1x32x256xf32, #tpu.memory_space<vmem>>, vector<1x32x256xf32>
    %swap3A_107 = vector.shape_cast %swap3A_106 : vector<1x32x256xf32> to vector<32x256xf32>
    %swap3A_108 = vector.shape_cast %add3A_103 : vector<32x256xf32> to vector<1x32x256xf32>
    tpu.vector_store %arg16[%swap3A, %swap3A_104, %swap3A_105], %swap3A_108 {strides = array<i32>} : memref<1x32x256xf32, #tpu.memory_space<vmem>>, vector<1x32x256xf32>,
    return
  }
  func.func @transform_0(%arg0: i32, %arg1: i32) -> (i32, i32, i32) {
    %c0_i32 = arith.constant 0 : i32
    %c0_i32_0 = arith.constant 0 : i32
    %c0_i32_1 = arith.constant 0 : i32
    return %arg0, %c0_i32, %c0_i32_0 : i32, i32, i32
  }
  func.func @transform_1(%arg0: i32, %arg1: i32) -> (i32, i32, i32) {
    %mul3A = arith.constant 16 : i32
    %mul3A_0 = arith.muli %arg0, %mul3A : i32
    %add3A = arith.addi %mul3A_0, %arg1 : i32
    %c0_i32 = arith.constant 0 : i32
    %c0_i32_1 = arith.constant 0 : i32
    %c0_i32_2 = arith.constant 0 : i32
    return %add3A, %c0_i32, %c0_i32_1 : i32, i32, i32
  }
  func.func @transform_2(%arg0: i32, %arg1: i32) -> (i32, i32, i32) {
    %mul3A = arith.constant 16 : i32
    %mul3A_0 = arith.muli %arg0, %mul3A : i32
    %add3A = arith.addi %mul3A_0, %arg1 : i32
    %c0_i32 = arith.constant 0 : i32
    %c0_i32_1 = arith.constant 0 : i32
    %c0_i32_2 = arith.constant 0 : i32
    return %add3A, %c0_i32, %c0_i32_1 : i32, i32, i32
  }
  func.func @transform_3(%arg0: i32, %arg1: i32) -> (i32, i32, i32) {
    %mul3A = arith.constant 16 : i32
    %mul3A_0 = arith.muli %arg0, %mul3A : i32
    %add3A = arith.addi %mul3A_0, %arg1 : i32
    %c0_i32 = arith.constant 0 : i32
    %c0_i32_1 = arith.constant 0 : i32
    %c0_i32_2 = arith.constant 0 : i32
    return %add3A, %c0_i32, %c0_i32_1 : i32, i32, i32
  }
  func.func @transform_4(%arg0: i32, %arg1: i32) -> (i32, i32) {
    %c0_i32 = arith.constant 0 : i32
    %c0_i32_0 = arith.constant 0 : i32
    %c0_i32_1 = arith.constant 0 : i32
    return %c0_i32, %c0_i32_0 : i32, i32
  }
  func.func @transform_5(%arg0: i32, %arg1: i32) -> (i32, i32) {
    %c0_i32 = arith.constant 0 : i32
    %c0_i32_0 = arith.constant 0 : i32
    %c0_i32_1 = arith.constant 0 : i32
    return %c0_i32, %c0_i32_0 : i32, i32
  }
  func.func @transform_6(%arg0: i32, %arg1: i32) -> (i32, i32) {
    %c0_i32 = arith.constant 0 : i32
    %c0_i32_0 = arith.constant 0 : i32
    %c0_i32_1 = arith.constant 0 : i32
    return %c0_i32, %c0_i32_0 : i32, i32
  }
  func.func @transform_7(%arg0: i32, %arg1: i32) -> (i32, i32) {
    %c0_i32 = arith.constant 0 : i32
    %c0_i32_0 = arith.constant 0 : i32
    %c0_i32_1 = arith.constant 0 : i32
    return %c0_i32, %c0_i32_0 : i32, i32
  }
  func.func @transform_8(%arg0: i32, %arg1: i32) -> (i32, i32) {
    %c0_i32 = arith.constant 0 : i32
    %c0_i32_0 = arith.constant 0 : i32
    %c0_i32_1 = arith.constant 0 : i32
    return %c0_i32, %c0_i32_0 : i32, i32
  }
  func.func @transform_9(%arg0: i32, %arg1: i32) -> (i32, i32) {
    %c0_i32 = arith.constant 0 : i32
    %c0_i32_0 = arith.constant 0 : i32
    %c0_i32_1 = arith.constant 0 : i32
    return %c0_i32, %c0_i32_0 : i32, i32
  }
  func.func @transform_10(%arg0: i32, %arg1: i32) -> (i32, i32) {
    %c0_i32 = arith.constant 0 : i32
    %c0_i32_0 = arith.constant 0 : i32
    %c0_i32_1 = arith.constant 0 : i32
    return %c0_i32, %c0_i32_0 : i32, i32
  }
  func.func @transform_11(%arg0: i32, %arg1: i32) -> (i32, i32) {
    %c0_i32 = arith.constant 0 : i32
    %c0_i32_0 = arith.constant 0 : i32
    %c0_i32_1 = arith.constant 0 : i32
    return %c0_i32, %c0_i32_0 : i32, i32
  }
  func.func @transform_12(%arg0: i32, %arg1: i32) -> (i32, i32) {
    %c0_i32 = arith.constant 0 : i32
    %c0_i32_0 = arith.constant 0 : i32
    %c0_i32_1 = arith.constant 0 : i32
    return %c0_i32, %c0_i32_0 : i32, i32
  }
  func.func @transform_13(%arg0: i32, %arg1: i32) -> (i32, i32) {
    %c0_i32 = arith.constant 0 : i32
    %c0_i32_0 = arith.constant 0 : i32
    %c0_i32_1 = arith.constant 0 : i32
    return %c0_i32, %c0_i32_0 : i32, i32
  }
  func.func @transform_14(%arg0: i32, %arg1: i32) -> (i32, i32, i32) {
    %c0_i32 = arith.constant 0 : i32
    %c0_i32_0 = arith.constant 0 : i32
    return %arg0, %arg1, %c0_i32 : i32, i32, i32
  }
}

</mosaic_0001>

<sc_bundles>
// kernel: kernel.7.cloned.1.call-start
scs
__scs_entry_jumppad:
0x0: {  	(pc) =	sbr.rel $0x88, $3  }
0x1: {  	(tag) =	ssettag $0x0;
	lr =	simm.s32 $0x1  }
0x2: {  	[smem:$0x3F80] =	sst lr;
	_ =	strace $0xD0000000  }
0x3: {  	_ = 	snop  }
0x4: {  	_ = 	snop  }
0x5: {  	_ = 	snop  }
0x6: {  	_ = 	snop  }
0x7: {  	_ = 	snop  }
__scs_overlays_trampoline_lowered:
0x8: {  	[smem:$0x3F8F] =	sst s0  }
0x9: {  	[smem:$0x3F90] =	sst s1  }
0xa: {  	[smem:$0x3F91] =	sst s2  }
0xb: {  	[smem:$0x3F92] =	sst s3  }
0xc: {  	[smem:$0x3F93] =	sst s4  }
0xd: {  	[smem:$0x3F94] =	sst s5  }
0xe: {  	[smem:$0x3F95] =	sst s6  }
0xf: {  	[smem:$0x3F96] =	sst s7  }
0x10: {  	[smem:$0x3F97] =	sst s8  }
0x11: {  	[smem:$0x3F98] =	sst s9;
	s0 =	simm.s32 @!p0 $0x0  }
0x12: {  	s1 =	sld [smem:$0x3F7E];
	s0 =	simm.s32 @p0 $0x1  }
0x13: {  	[smem:$0x3F99] =	sst s0;
	s0 =	simm.s32 @!p1 $0x0  }
0x14: {  	s2 =	sld [smem:$0x3F7D];
	s0 =	simm.s32 @p1 $0x1  }
0x15: {  	[smem:$0x3F9A] =	sst s0;
	s0 =	simm.s32 @!p2 $0x0  }
0x16: {  	s3 =	sld [smem:$0x3FDB];
	s0 =	simm.s32 @p2 $0x1  }
0x17: {  	s4 =	simm.s32 $0x1BF5;
	[smem:$0x3F9C] =	sst s0  }
0x18: {  	s0 =	sld [smem:$0x3F7F];
	_ =	swait.ge [sflag:s4], $0x0  }
0x19: {  	s7 =	sld [smem:$0x3F80]  }
0x1a: {  	s8 =	sadd.s32 $0xFFFFE003, lr  }
0x1b: {  	s9 =	sadd.s32 $0xFFFFFEF7, lr;
	s5 =	simm.s32 $0xFFFFFFFF;
	p2 =	slt.u32 s8, $0xFFFFF086  }
0x1c: {  	p1 =	slt.u32 s9, $0xF7A;
	s5 =	simm.s32 @!p2 $0x0  }
0x1d: {  	s5 =	simm.s32 @p1 $0x1;
	p0 =	seq.s32 s7, s2  }
0x1e: {  	s7 =	smul.u32 @!p0 $0xF7A, s2;
	p2 =	seq.s32 @!p0 s5, $0x0  }
0x1f: {  	s9 =	smul.u32 $0xF7A, s1;
	s8 =	simm.s32 @!p0 $0x1BF5;
	p2 =	por !p2, p0  }
0x20: {  	[sflag:s8] =	ssyncset.s32 @!p0 $0xFFFFF086;
	s6 =	sadd.s32 @!p0 s3, s7;
	s7 =	simm.s32 @!p0 $0x108  }
0x21: {  	s3 =	sadd.s32 s3, s9;
	s6 =	sadd.s32 @!p0 $0x88, s6;
	s7 =	simm.s32 @p2 $0x1082  }
0x22: {  	[simem:s7], [sflag:s8] =	dma.local @!p0 [hbm:s6], $0xF7A  }
0x23: {  	s9 =	sor.u32 $0xD0000000, s2;
	s6 =	simm.s32 $0x108;
	_ =	swait.ge @!p0 [sflag:s8], $0x0  }
0x24: {  	s3 =	sadd.s32 $0x88, s3;
	s6 =	simm.s32 @!p1 $0x1082;
	[sflag:s4] =	ssyncset.s32 $0xFFFFF086  }
0x25: {  	[simem:s6], [sflag:s4] =	dma.local [hbm:s3], $0xF7A  }
0x26: {  	[smem:$0x3F80] =	sst s1;
	(tag) =	ssettag s2;
	_ =	strace s9  }
0x27: {  	s1 =	sld [smem:$0x3F90]  }
0x28: {  	s2 =	sld [smem:$0x3F91]  }
0x29: {  	s4 =	sld [smem:$0x3F93]  }
0x2a: {  	p0 =	seq.s32 s5, $0x0;
	s5 =	sld [smem:$0x3F94]  }
0x2b: {  	s6 =	sld [smem:$0x3F95]  }
0x2c: {  	s7 =	sld [smem:$0x3F96]  }
0x2d: {  	s3 =	simm.s32 $0x108;
	s8 =	sld [smem:$0x3F97]  }
0x2e: {  	s3 =	simm.s32 @!p0 $0x1082;
	s9 =	sld [smem:$0x3F98]  }
0x2f: {  	lr =	sadd.s32 s0, s3;
	s0 =	sld [smem:$0x3F8F]  }
0x30: {  	s3 =	sld [smem:$0x3F92]  }
0x31: {  	[smem:$0x3F9B] =	sst s10  }
0x32: {  	s10 =	sld [smem:$0x3F99];
	_ =	sdelay $0x3  }
0x33: {  	p0 =	seq.s32 s10, $0x1;
	s10 =	sld [smem:$0x3F9B];
	_ =	sdelay $0x3  }
0x34: {  	[smem:$0x3F9B] =	sst s10  }
0x35: {  	s10 =	sld [smem:$0x3F9A];
	_ =	sdelay $0x3  }
0x36: {  	p1 =	seq.s32 s10, $0x1;
	s10 =	sld [smem:$0x3F9B];
	_ =	sdelay $0x3  }
0x37: {  	[smem:$0x3F9B] =	sst s10  }
0x38: {  	s10 =	sld [smem:$0x3F9C]  }
0x39: {  	_ = 	snop;
	(pc) =	sbr.ind lr, $3  }
0x3a: {  	_ = 	snop  }
0x3b: {  	_ = 	snop  }
0x3c: {  	p2 =	seq.s32 s10, $0x1;
	s10 =	sld [smem:$0x3F9B]  }
0x3d: {  	_ =	shalt  }
0x3e: {  	_ =	shalt  }
0x3f: {  	_ =	shalt  }
0x40: {  	_ =	shalt  }
0x41: {  	_ =	shalt  }
0x42: {  	_ =	shalt  }
0x43: {  	_ =	shalt  }
0x44: {  	_ =	shalt  }
0x45: {  	_ =	shalt  }
0x46: {  	_ =	shalt  }
0x47: {  	_ =	shalt  }
0x48: {  	_ =	shalt  }
0x49: {  	_ =	shalt  }
0x4a: {  	_ =	shalt  }
0x4b: {  	_ =	shalt  }
0x4c: {  	_ =	shalt  }
0x4d: {  	_ =	shalt  }
0x4e: {  	_ =	shalt  }
0x4f: {  	_ =	shalt  }
0x50: {  	_ =	shalt  }
0x51: {  	_ =	shalt  }
0x52: {  	_ =	shalt  }
0x53: {  	_ =	shalt  }
0x54: {  	_ =	shalt  }
0x55: {  	_ =	shalt  }
0x56: {  	_ =	shalt  }
0x57: {  	_ =	shalt  }
0x58: {  	_ =	shalt  }
0x59: {  	_ =	shalt  }
0x5a: {  	_ =	shalt  }
0x5b: {  	_ =	shalt  }
0x5c: {  	_ =	shalt  }
0x5d: {  	_ =	shalt  }
0x5e: {  	_ =	shalt  }
0x5f: {  	_ =	shalt  }
0x60: {  	_ =	shalt  }
0x61: {  	_ =	shalt  }
0x62: {  	_ =	shalt  }
0x63: {  	_ =	shalt  }
0x64: {  	_ =	shalt  }
0x65: {  	_ =	shalt  }
0x66: {  	_ =	shalt  }
0x67: {  	_ =	shalt  }
0x68: {  	_ =	shalt  }
0x69: {  	_ =	shalt  }
0x6a: {  	_ =	shalt  }
0x6b: {  	_ =	shalt  }
0x6c: {  	_ =	shalt  }
0x6d: {  	_ =	shalt  }
0x6e: {  	_ =	shalt  }
0x6f: {  	_ =	shalt  }
0x70: {  	_ =	shalt  }
0x71: {  	_ =	shalt  }
0x72: {  	_ =	shalt  }
0x73: {  	_ =	shalt  }
0x74: {  	_ =	shalt  }
0x75: {  	_ =	shalt  }
0x76: {  	_ =	shalt  }
0x77: {  	_ =	shalt  }
0x78: {  	_ =	shalt  }
0x79: {  	_ =	shalt  }
0x7a: {  	_ =	shalt  }
0x7b: {  	_ =	shalt  }
0x7c: {  	_ =	shalt  }
0x7d: {  	_ =	shalt  }
0x7e: {  	_ =	shalt  }
0x7f: {  	_ =	shalt  }
0x80: {  	_ =	shalt  }
0x81: {  	_ =	shalt  }
0x82: {  	_ =	shalt  }
0x83: {  	_ =	shalt  }
0x84: {  	_ =	shalt  }
0x85: {  	_ =	shalt  }
0x86: {  	_ =	shalt  }
0x87: {  	_ =	shalt  }
.Lfunc_end0:
.L_simem_size_0:
called_computation_lowered:
.L_overlay_start_0:
0x88: {  	s2 =	sld [smem:$0x3FD9]  }
0x89: {  	s3 =	sld [smem:$0x3FFE];
	_ =	sdelay $0x1  }
0x8a: {  	s1 =	srdreg.scid  }
0x8b: {  	s0 =	sand.u32 $0x1, s1  }
0x8c: {  	s17 =	sshll.u32 s0, $0xA;
	s2 =	sadd.s32 s3, s2  }
0x8d: {  	s2 =	sadd.s32 s2, s17  }
0x8e: {  	[smem:$0x3FA7] =	sst s2  }
0x8f: {  	_ = 	snop  }
0x90: {  	s2 =	sld [smem:$0x3FD0];
	(tm) =	ssettm $0x1  }
0x91: {  	s18 =	sld [smem:$0x3FFB];
	_ =	sdelay $0x3  }
0x92: {  	_ =	strace s18  }
0x93: {  	s3 =	sld [smem:$0x3FFC];
	_ =	sdelay $0x3  }
0x94: {  	_ =	strace s3  }
0x95: {  	s3 =	sld [smem:$0x3FFD];
	_ =	sdelay $0x3  }
0x96: {  	_ =	strace s3  }
0x97: {  	_ =	strace $0x8FFFFFFF  }
0x98: {  	s19 =	sld [smem:$0x3FDB];
	_ =	sdelay $0x1  }
0x99: {  	s4 =	simm.s32 $_scs_section_size  }
0x9a: {  	s5 =	simm.s32 $_size__tile_overlayer_lowered;
	s6 =	simm.s32 $_tile_overlayer_lowered  }
0x9b: {  	s22 =	simm.s32 $0x1BFF;
	s21 =	sshll.u32 s6, $0x1;
	s3 =	sadd.s32 s4, s19  }
0x9c: {  	s7 =	simm.s32 $0x0;
	s20 =	sshll.u32 s5, $0x1;
	s5 =	sadd.s32 s21, s3  }
0x9d: {  	[timem:s7], [sflag:s22] =	dma.local [hbm:s5], s20  }
0x9e: {  	_ =	swait.ge [sflag:s22], s20  }
0x9f: {  	s4 =	ssub.s32 $0x0, s20;
	[sflag:s22] =	ssyncset.done $0x0  }
0xa0: {  	[sflag:s22] =	ssyncadd.s32 s4;
	_ =	sdelay $0x1  }
0xa1: {  	s23 =	simm.s32 $0x1B8B  }
0xa2: {  	_ =	swait.ge [sflag:s23], $0x1  }
0xa3: {  	[sflag:s23] =	ssyncset.done $0x0  }
0xa4: {  	s25 =	simm.s32 $0x1B8E;
	s24 =	sld [smem:$0x3FFE];
	[sflag:s23] =	ssyncadd.s32 $0xFFFFFFFF  }
0xa5: {  	s26 =	simm.s32 $execute0_lowered;
	[smem:$0x3FD2] =	sst s25  }
0xa6: {  	s5 =	sshll.u32 s26, $0x1;
	_ =	strace $0x80000046;
	[dreg:$0x1] =	wrdreg $0xFFFFFFFF  }
0xa7: {  	s28 =	simm.s32 $_size_execute0_lowered;
	s3 =	sadd.s32 s3, s5;
	[dreg:$0x0] =	wrdreg $0x0  }
0xa8: {  	s5 =	sshll.u32 s28, $0x1;
	[dreg:$0x2] =	wrdreg s3  }
0xa9: {  	[dreg:$0x3] =	wrdreg s5  }
0xaa: {  	[dreg:$0x4] =	wrdreg $0xC0  }
0xab: {  	_ =	task [dreg:s7], $0x5FFFF  }
0xac: {  	[dreg:$0x1] =	wrdreg $0xFFFFFFFF  }
0xad: {  	[dreg:$0x0] =	wrdreg $0x60  }
0xae: {  	[dreg:$0x2] =	wrdreg s24  }
0xaf: {  	[dreg:$0x3] =	wrdreg s2  }
0xb0: {  	[dreg:$0x4] =	wrdreg $0x9  }
0xb1: {  	_ =	task.clear_ibuf [dreg:s7], $0x5FFFF;
	_ =	strace $0x90000046  }
0xb2: {  	s29 =	simm.s32 $0x9;
	_ =	strace $0x80000048  }
0xb3: {  	_ =	swait.ge [sflag:s29], $0x1  }
0xb4: {  	[sflag:s29] =	ssyncadd.s32 $0xFFFFFFFF  }
0xb5: {  	_ =	strace $0x90000048  }
0xb6: {  	_ =	sfence  }
0xb7: {  	s30 =	sld [smem:$0x0];
	_ =	sdelay $0x2  }
0xb8: {  	s31 =	sshll.u32 s1, $0xD;
	s1 =	sshrl.u32 s1, $0x2  }
0xb9: {  	s3 =	sand.u32 $0x4000, s31;
	s1 =	sadd.s32 s1, s30  }
0xba: {  	s0 =	sor.u32 s3, s0;
	s1 =	sshll.u32 s1, $0x11  }
0xbb: {  	s0 =	sor.u32 s1, s0  }
0xbc: {  	s0 =	sadd.s32 $0x8F2B, s0  }
0xbd: {  	[sflag:s0] =	ssyncadd.remote.s32 $0x1  }
0xbe: {  	_ =	sfence.sel $0xFFFF  }
0xbf: {  	[dreg:$0x0] =	wrdreg $0xFFFFFFFF;
	(pc) =	sbr.abs _section_cstart, $3  }
0xc0: {  	[dreg:$0x1] =	wrdreg $0xFFFFFFFF  }
0xc1: {  	_ =	task.clear_ibuf [dreg:s7], $0x2FFFF;
	_ =	strace $0x9FFFFFFF  }
0xc2: {  	(tm) =	ssettm $0x7FFFFFFF  }
0xc3: {  	_ =	shalt  }
tec
execute0_lowered:
.L_overlay_start_1:
0x0: {  	(tag) =	ssettag $0x1  }
0x1: {  	s0 =	rddreg [dreg:$0x0]  }
0x2: {  	s2 =	rddreg [dreg:$0x1]  }
0x3: {  	s1 =	simm.s32 $0x0;
	s5 =	srdreg.scid;
	s6 =	stileid.u32  }
0x4: {  	s14 =	simm.s32 $0x4;
	s19 =	simm.s32 $0x2000;
	s20 =	simm.s32 $0x1  }
0x5: {  	s22 =	simm.s32 $0x2;
	s23 =	simm.s32 $0x6000;
	s24 =	simm.s32 $0x3  }
0x6: {  	s25 =	simm.s32 $0x10000;
	s26 =	simm.s32 $0x12000;
	s28 =	simm.s32 $0x0  }
0x7: {  	[smem:$0x7FF] =	sst s1;
	s3 =	sadd.s32 $0x1D000, s0;
	s5 =	sand.u32 $0x1, s5  }
0x8: {  	s4 =	sadd.s32 $0x1D200, s0;
	s6 =	sshll.u32 s6, $0xB;
	s7 =	sshll.u32 s5, $0xA  }
0x9: {  	_ =	strace $0x80000047;
	s8 =	ssub.s32 $0x2, s5;
	s6 =	sor.u32 s7, s6  }
0xa: {  	s5 =	sadd.s32 $0x1D400, s0;
	s31 =	sshrl.u32 s8, $0x1;
	s0 =	sadd.s32 s6, s0  }
0xb: {  	s13 =	ssub.s32 s8, s31;
	s6 =	sadd.s32 s2, s6;
	s7 =	sadd.s32 $0x15000, s0  }
0xc: {  	s8 =	sadd.s32 $0xD000, s0;
	s9 =	sadd.s32 $0x5000, s0;
	s10 =	sadd.s32 $0x1D600, s0  }
0xd: {  	s11 =	sadd.s32 $0x25600, s0;
	s12 =	sadd.s32 $0x2D600, s0;
	s13 =	smax.u32 s13, $0x1  }
.LBB2_1:
0xe: {  	[tilespmem:s1], [sflag:$0x4] =	stream.linear.gather [hbm4b:s6+s1], $0x2000, $0x38;
	[tilespmem:$0x14000] =	vst v63  }
0xf: {  	_ =	swait.ge [sflag:s14], $0x2000  }
0x10: {  	[sflag:s14] =	ssyncset.done $0x0  }
0x11: {  	s0 =	simm.s32 $0xA000;
	[sflag:s14] =	ssyncadd.s32 $0xFFFFE000  }
0x12: {  	[tilespmem:s0], [sflag:$0x4] =	stream.linear.gather [hbm4b:s7+s1], $0x2000, $0x38;
	[tilespmem:$0x14000] =	vst v63  }
0x13: {  	_ =	swait.ge [sflag:s14], $0x2000  }
0x14: {  	[sflag:s14] =	ssyncset.done $0x0  }
0x15: {  	s16 =	simm.s32 $0xC000;
	[sflag:s14] =	ssyncadd.s32 $0xFFFFE000  }
0x16: {  	[tilespmem:s16], [sflag:$0x4] =	stream.linear.gather [hbm4b:s8+s1], $0x2000, $0x38;
	[tilespmem:$0x14000] =	vst v63  }
0x17: {  	_ =	swait.ge [sflag:s14], $0x2000  }
0x18: {  	[sflag:s14] =	ssyncset.done $0x0  }
0x19: {  	s17 =	simm.s32 $0xE000;
	[sflag:s14] =	ssyncadd.s32 $0xFFFFE000  }
0x1a: {  	[tilespmem:s17], [sflag:$0x4] =	stream.linear.gather [hbm4b:s9+s1], $0x2000, $0x38;
	[tilespmem:$0x14000] =	vst v63  }
0x1b: {  	_ =	swait.ge [sflag:s14], $0x2000  }
0x1c: {  	[sflag:s14] =	ssyncset.done $0x0  }
0x1d: {  	s18 =	simm.s32 $0x8000;
	[sflag:s14] =	ssyncadd.s32 $0xFFFFE000  }
0x1e: {  	[tilespmem:s18], [sflag:$0x4] =	stream.linear.gather [hbm4b:s10+s1], $0x2000, $0x38;
	[tilespmem:$0x14000] =	vst v63  }
0x1f: {  	_ =	swait.ge [sflag:s14], $0x2000  }
0x20: {  	[sflag:s14] =	ssyncset.done $0x0  }
0x21: {  	[sflag:s14] =	ssyncadd.s32 $0xFFFFE000  }
0x22: {  	[tilespmem:s19], [sflag:$0x1] =	stream.indirect.gather [hbm4b:s3+s19], $0x1, s1, s19, $0xb8;
	[tilespmem:$0x14000] =	vst v63  }
0x23: {  	_ =	swait.ge [sflag:s20], $0x2000  }
0x24: {  	[sflag:s20] =	ssyncset.done $0x0  }
0x25: {  	s21 =	simm.s32 $0x4000;
	[sflag:s20] =	ssyncadd.s32 $0xFFFFE000  }
0x26: {  	[tilespmem:s21], [sflag:$0x2] =	stream.indirect.gather [hbm4b:s4+s19], $0x1, s1, s19, $0xb8;
	[tilespmem:$0x14000] =	vst v63  }
0x27: {  	_ =	swait.ge [sflag:s22], $0x2000  }
0x28: {  	s29 =	simm.s32 $0xFFFFFFFC;
	s30 =	simm.s32 $0x12020;
	[sflag:s22] =	ssyncset.done $0x0  }
0x29: {  	s31 =	simm.s32 $0x10020;
	s2 =	simm.s32 $0xE020;
	[sflag:s22] =	ssyncadd.s32 $0xFFFFE000  }
0x2a: {  	[tilespmem:s23], [sflag:$0x3] =	stream.indirect.gather [hbm4b:s5+s19], $0x1, s1, s19, $0xb8;
	[tilespmem:$0x14000] =	vst v63  }
0x2b: {  	s15 =	simm.s32 $0x6020;
	s0 =	simm.s32 $0x8020;
	_ =	swait.ge [sflag:s24], $0x2000  }
0x2c: {  	s16 =	simm.s32 $0xC020;
	s17 =	simm.s32 $0x4020;
	[sflag:s24] =	ssyncset.done $0x0  }
0x2d: {  	s18 =	simm.s32 $0xA020;
	s21 =	simm.s32 $0x2020;
	[sflag:s24] =	ssyncadd.s32 $0xFFFFE000  }
.LBB2_2:
0x2e: {  	v0 =	vld [tilespmem:s21+$0xFFFFFFE0]  }
0x2f: {  	v1 =	vld [tilespmem:s18+$0xFFFFFFE0]  }
0x30: {  	v2 =	vld [tilespmem:s17+$0xFFFFFFE0]  }
0x31: {  	v3 =	vld [tilespmem:s16+$0xFFFFFFE0]  }
0x32: {  	v4 =	vld [tilespmem:s15+$0xFFFFFFE0]  }
0x33: {  	v5 =	vld [tilespmem:s2+$0xFFFFFFE0];
	_ =	sdelay $0x2  }
0x34: {  	v0 =	vsub.f32 v0, v1;
	v13 =	vsub.f32 v2, v3;
	_ =	sdelay $0x1  }
0x35: {  	v14 =	vsub.f32 v4, v5;
	v0 =	vmul.f32 v0, v0;
	v1 =	vmul.f32 v13, v13;
	_ =	sdelay $0x1  }
0x36: {  	v15 =	vmul.f32 v14, v14;
	v0 =	vadd.f32 v1, v0;
	_ =	sdelay $0x1  }
0x37: {  	v0 =	vadd.f32 v15, v0;
	_ =	sdelay $0x1  }
0x38: {  	v1 =	vshrl.u32 v0, $0x1;
	v16 =	vmul.f32 $5.000000000e-01, v0  }
0x39: {  	v1 =	vsub.s32 $0x5F3759DF, v1  }
0x3a: {  	v17 =	vmul.f32 v1, v16;
	_ =	sdelay $0x1  }
0x3b: {  	v3 =	vmul.f32 v1, v17;
	_ =	sdelay $0x1  }
0x3c: {  	v3 =	vsub.f32 $1.500000000e+00, v3;
	_ =	sdelay $0x1  }
0x3d: {  	v1 =	vmul.f32 v1, v3;
	_ =	sdelay $0x1  }
0x3e: {  	v3 =	vmul.f32 v1, v16;
	_ =	sdelay $0x1  }
0x3f: {  	v3 =	vmul.f32 v3, v1;
	_ =	sdelay $0x1  }
0x40: {  	v3 =	vsub.f32 $1.500000000e+00, v3;
	_ =	sdelay $0x1  }
0x41: {  	v1 =	vmul.f32 v3, v1;
	_ =	sdelay $0x1  }
0x42: {  	v2 =	vmul.f32 v1, v16;
	_ =	sdelay $0x1  }
0x43: {  	v18 =	vld [tilespmem:s0+$0xFFFFFFE0];
	v2 =	vmul.f32 v2, v1;
	_ =	sdelay $0x1  }
0x44: {  	v2 =	vsub.f32 $1.500000000e+00, v2;
	_ =	sdelay $0x1  }
0x45: {  	v1 =	vmul.f32 v2, v1  }
0x46: {  	vm0 =	vlt.f32 v18, $0.0e+00;
	vm1 =	vgt.f32 v18, $0.0e+00  }
0x47: {  	vm0 =	vmor vm1, vm0;
	vm2 =	vgt.f32 v0, $0.0e+00;
	v1 =	vmul.f32 v1, v0  }
0x48: {  	vm0 =	vmand vm0, vm2  }
0x49: {  	v19 =	vnsel vm0, $0x0, v1  }
0x4a: {  	v1 =	vmul.f32 $2.000000030e-01, v19;
	_ =	sdelay $0x1  }
0x4b: {  	v1 =	vmul.f32 v1, v1;
	_ =	sdelay $0x1  }
0x4c: {  	v20 =	vmul.f32 $4.303069550e-06, v1;
	_ =	sdelay $0x1  }
0x4d: {  	v2 =	vadd.f32 $-1.046381080e-04, v20;
	_ =	sdelay $0x1  }
0x4e: {  	v2 =	vmul.f32 v2, v1;
	_ =	sdelay $0x1  }
0x4f: {  	v2 =	vadd.f32 $1.929574300e-03, v2;
	_ =	sdelay $0x1  }
0x50: {  	v2 =	vmul.f32 v2, v1;
	_ =	sdelay $0x1  }
0x51: {  	v2 =	vadd.f32 $-2.580689080e-02, v2;
	_ =	sdelay $0x1  }
0x52: {  	v2 =	vmul.f32 v2, v1;
	_ =	sdelay $0x1  }
0x53: {  	v2 =	vadd.f32 $2.353306260e-01, v2;
	_ =	sdelay $0x1  }
0x54: {  	v2 =	vmul.f32 v2, v1;
	_ =	sdelay $0x1  }
0x55: {  	v2 =	vadd.f32 $-1.335262780e+00, v2;
	_ =	sdelay $0x1  }
0x56: {  	v2 =	vmul.f32 v2, v1;
	_ =	sdelay $0x1  }
0x57: {  	v2 =	vadd.f32 $4.058712010e+00, v2;
	_ =	sdelay $0x1  }
0x58: {  	v2 =	vmul.f32 v2, v1;
	_ =	sdelay $0x1  }
0x59: {  	v2 =	vadd.f32 $-4.934802060e+00, v2;
	_ =	sdelay $0x1  }
0x5a: {  	v1 =	vmul.f32 v2, v1;
	_ =	sdelay $0x1  }
0x5b: {  	v1 =	vadd.f32 $1.000000000e+00, v1  }
0x5c: {  	[tilespmem:s31+$0xFFFFFFE0] =	vst v19  }
0x5d: {  	v21 =	vld [tilespmem:s0+$0xFFFFFFE0];
	v1 =	vadd.f32 $1.000000000e+00, v1;
	_ =	sdelay $0x1  }
0x5e: {  	v1 =	vmul.f32 $5.000000000e-01, v1  }
0x5f: {  	vm0 =	vlt.f32 v19, $5.000000000e+00  }
0x60: {  	v0 =	vnsel vm0, $0x0, v1  }
0x61: {  	v0 =	vmul.f32 v0, v21;
	_ =	sdelay $0x1  }
0x62: {  	[tilespmem:s30+$0xFFFFFFE0] =	vst v0  }
0x63: {  	v0 =	vld [tilespmem:s21+$0xFFFFFFF0]  }
0x64: {  	v22 =	vld [tilespmem:s18+$0xFFFFFFF0]  }
0x65: {  	v23 =	vld [tilespmem:s17+$0xFFFFFFF0]  }
0x66: {  	v24 =	vld [tilespmem:s16+$0xFFFFFFF0]  }
0x67: {  	v25 =	vld [tilespmem:s15+$0xFFFFFFF0]  }
0x68: {  	v26 =	vld [tilespmem:s2+$0xFFFFFFF0];
	_ =	sdelay $0x2  }
0x69: {  	v0 =	vsub.f32 v0, v22;
	v27 =	vsub.f32 v23, v24;
	_ =	sdelay $0x1  }
0x6a: {  	v28 =	vsub.f32 v25, v26;
	v0 =	vmul.f32 v0, v0;
	v1 =	vmul.f32 v27, v27;
	_ =	sdelay $0x1  }
0x6b: {  	v29 =	vmul.f32 v28, v28;
	v0 =	vadd.f32 v1, v0;
	_ =	sdelay $0x1  }
0x6c: {  	v0 =	vadd.f32 v29, v0;
	_ =	sdelay $0x1  }
0x6d: {  	v1 =	vshrl.u32 v0, $0x1;
	v30 =	vmul.f32 $5.000000000e-01, v0  }
0x6e: {  	v1 =	vsub.s32 $0x5F3759DF, v1  }
0x6f: {  	v31 =	vmul.f32 v1, v30;
	_ =	sdelay $0x1  }
0x70: {  	v3 =	vmul.f32 v1, v31;
	_ =	sdelay $0x1  }
0x71: {  	v3 =	vsub.f32 $1.500000000e+00, v3;
	_ =	sdelay $0x1  }
0x72: {  	v1 =	vmul.f32 v1, v3;
	_ =	sdelay $0x1  }
0x73: {  	v3 =	vmul.f32 v1, v30;
	_ =	sdelay $0x1  }
0x74: {  	v3 =	vmul.f32 v3, v1;
	_ =	sdelay $0x1  }
0x75: {  	v3 =	vsub.f32 $1.500000000e+00, v3;
	_ =	sdelay $0x1  }
0x76: {  	v1 =	vmul.f32 v3, v1;
	_ =	sdelay $0x1  }
0x77: {  	v2 =	vmul.f32 v1, v30;
	_ =	sdelay $0x1  }
0x78: {  	v32 =	vld [tilespmem:s0+$0xFFFFFFF0];
	v2 =	vmul.f32 v2, v1;
	_ =	sdelay $0x1  }
0x79: {  	v2 =	vsub.f32 $1.500000000e+00, v2;
	_ =	sdelay $0x1  }
0x7a: {  	v1 =	vmul.f32 v2, v1  }
0x7b: {  	vm7 =	vlt.f32 v32, $0.0e+00;
	vm8 =	vgt.f32 v32, $0.0e+00  }
0x7c: {  	vm0 =	vmor vm8, vm7;
	vm9 =	vgt.f32 v0, $0.0e+00;
	v1 =	vmul.f32 v1, v0  }
0x7d: {  	vm0 =	vmand vm0, vm9  }
0x7e: {  	v33 =	vnsel vm0, $0x0, v1  }
0x7f: {  	v1 =	vmul.f32 $2.000000030e-01, v33;
	_ =	sdelay $0x1  }
0x80: {  	v1 =	vmul.f32 v1, v1;
	_ =	sdelay $0x1  }
0x81: {  	v34 =	vmul.f32 $4.303069550e-06, v1;
	_ =	sdelay $0x1  }
0x82: {  	v2 =	vadd.f32 $-1.046381080e-04, v34;
	_ =	sdelay $0x1  }
0x83: {  	v2 =	vmul.f32 v2, v1;
	_ =	sdelay $0x1  }
0x84: {  	v2 =	vadd.f32 $1.929574300e-03, v2;
	_ =	sdelay $0x1  }
0x85: {  	v2 =	vmul.f32 v2, v1;
	_ =	sdelay $0x1  }
0x86: {  	v2 =	vadd.f32 $-2.580689080e-02, v2;
	_ =	sdelay $0x1  }
0x87: {  	v2 =	vmul.f32 v2, v1;
	_ =	sdelay $0x1  }
0x88: {  	v2 =	vadd.f32 $2.353306260e-01, v2;
	_ =	sdelay $0x1  }
0x89: {  	v2 =	vmul.f32 v2, v1;
	_ =	sdelay $0x1  }
0x8a: {  	v2 =	vadd.f32 $-1.335262780e+00, v2;
	_ =	sdelay $0x1  }
0x8b: {  	v2 =	vmul.f32 v2, v1;
	_ =	sdelay $0x1  }
0x8c: {  	v2 =	vadd.f32 $4.058712010e+00, v2;
	_ =	sdelay $0x1  }
0x8d: {  	v2 =	vmul.f32 v2, v1;
	_ =	sdelay $0x1  }
0x8e: {  	v2 =	vadd.f32 $-4.934802060e+00, v2;
	_ =	sdelay $0x1  }
0x8f: {  	v1 =	vmul.f32 v2, v1;
	_ =	sdelay $0x1  }
0x90: {  	v1 =	vadd.f32 $1.000000000e+00, v1  }
0x91: {  	[tilespmem:s31+$0xFFFFFFF0] =	vst v33  }
0x92: {  	v35 =	vld [tilespmem:s0+$0xFFFFFFF0];
	v1 =	vadd.f32 $1.000000000e+00, v1;
	_ =	sdelay $0x1  }
0x93: {  	v1 =	vmul.f32 $5.000000000e-01, v1  }
0x94: {  	vm0 =	vlt.f32 v33, $5.000000000e+00  }
0x95: {  	v0 =	vnsel vm0, $0x0, v1  }
0x96: {  	v0 =	vmul.f32 v0, v35;
	_ =	sdelay $0x1  }
0x97: {  	[tilespmem:s30+$0xFFFFFFF0] =	vst v0  }
0x98: {  	v0 =	vld [tilespmem:s21+$0x0]  }
0x99: {  	v36 =	vld [tilespmem:s18+$0x0]  }
0x9a: {  	v37 =	vld [tilespmem:s17+$0x0]  }
0x9b: {  	v38 =	vld [tilespmem:s16+$0x0]  }
0x9c: {  	v39 =	vld [tilespmem:s15+$0x0]  }
0x9d: {  	v40 =	vld [tilespmem:s2+$0x0];
	_ =	sdelay $0x2  }
0x9e: {  	v0 =	vsub.f32 v0, v36;
	v41 =	vsub.f32 v37, v38;
	_ =	sdelay $0x1  }
0x9f: {  	v42 =	vsub.f32 v39, v40;
	v0 =	vmul.f32 v0, v0;
	v1 =	vmul.f32 v41, v41;
	_ =	sdelay $0x1  }
0xa0: {  	v43 =	vmul.f32 v42, v42;
	v0 =	vadd.f32 v1, v0;
	_ =	sdelay $0x1  }
0xa1: {  	v0 =	vadd.f32 v43, v0;
	_ =	sdelay $0x1  }
0xa2: {  	v1 =	vshrl.u32 v0, $0x1;
	v44 =	vmul.f32 $5.000000000e-01, v0  }
0xa3: {  	v1 =	vsub.s32 $0x5F3759DF, v1  }
0xa4: {  	v45 =	vmul.f32 v1, v44;
	_ =	sdelay $0x1  }
0xa5: {  	v3 =	vmul.f32 v1, v45;
	_ =	sdelay $0x1  }
0xa6: {  	v3 =	vsub.f32 $1.500000000e+00, v3;
	_ =	sdelay $0x1  }
0xa7: {  	v1 =	vmul.f32 v1, v3;
	_ =	sdelay $0x1  }
0xa8: {  	v3 =	vmul.f32 v1, v44;
	_ =	sdelay $0x1  }
0xa9: {  	v3 =	vmul.f32 v3, v1;
	_ =	sdelay $0x1  }
0xaa: {  	v3 =	vsub.f32 $1.500000000e+00, v3;
	_ =	sdelay $0x1  }
0xab: {  	v1 =	vmul.f32 v3, v1;
	_ =	sdelay $0x1  }
0xac: {  	v2 =	vmul.f32 v1, v44;
	_ =	sdelay $0x1  }
0xad: {  	v46 =	vld [tilespmem:s0+$0x0];
	v2 =	vmul.f32 v2, v1;
	_ =	sdelay $0x1  }
0xae: {  	v2 =	vsub.f32 $1.500000000e+00, v2;
	_ =	sdelay $0x1  }
0xaf: {  	v1 =	vmul.f32 v2, v1  }
0xb0: {  	vm10 =	vlt.f32 v46, $0.0e+00;
	vm11 =	vgt.f32 v46, $0.0e+00  }
0xb1: {  	vm0 =	vmor vm11, vm10;
	vm12 =	vgt.f32 v0, $0.0e+00;
	v1 =	vmul.f32 v1, v0  }
0xb2: {  	vm0 =	vmand vm0, vm12  }
0xb3: {  	v47 =	vnsel vm0, $0x0, v1  }
0xb4: {  	v1 =	vmul.f32 $2.000000030e-01, v47;
	_ =	sdelay $0x1  }
0xb5: {  	v1 =	vmul.f32 v1, v1;
	_ =	sdelay $0x1  }
0xb6: {  	v48 =	vmul.f32 $4.303069550e-06, v1;
	_ =	sdelay $0x1  }
0xb7: {  	v2 =	vadd.f32 $-1.046381080e-04, v48;
	_ =	sdelay $0x1  }
0xb8: {  	v2 =	vmul.f32 v2, v1;
	_ =	sdelay $0x1  }
0xb9: {  	v2 =	vadd.f32 $1.929574300e-03, v2;
	_ =	sdelay $0x1  }
0xba: {  	v2 =	vmul.f32 v2, v1;
	_ =	sdelay $0x1  }
0xbb: {  	v2 =	vadd.f32 $-2.580689080e-02, v2;
	_ =	sdelay $0x1  }
0xbc: {  	v2 =	vmul.f32 v2, v1;
	_ =	sdelay $0x1  }
0xbd: {  	v2 =	vadd.f32 $2.353306260e-01, v2;
	_ =	sdelay $0x1  }
0xbe: {  	v2 =	vmul.f32 v2, v1;
	_ =	sdelay $0x1  }
0xbf: {  	v2 =	vadd.f32 $-1.335262780e+00, v2;
	_ =	sdelay $0x1  }
0xc0: {  	v2 =	vmul.f32 v2, v1;
	_ =	sdelay $0x1  }
0xc1: {  	v2 =	vadd.f32 $4.058712010e+00, v2;
	_ =	sdelay $0x1  }
0xc2: {  	v2 =	vmul.f32 v2, v1;
	_ =	sdelay $0x1  }
0xc3: {  	v2 =	vadd.f32 $-4.934802060e+00, v2;
	_ =	sdelay $0x1  }
0xc4: {  	v1 =	vmul.f32 v2, v1;
	_ =	sdelay $0x1  }
0xc5: {  	v1 =	vadd.f32 $1.000000000e+00, v1  }
0xc6: {  	[tilespmem:s31+$0x0] =	vst v47  }
0xc7: {  	v49 =	vld [tilespmem:s0+$0x0];
	v1 =	vadd.f32 $1.000000000e+00, v1;
	_ =	sdelay $0x1  }
0xc8: {  	v1 =	vmul.f32 $5.000000000e-01, v1  }
0xc9: {  	vm0 =	vlt.f32 v47, $5.000000000e+00  }
0xca: {  	v0 =	vnsel vm0, $0x0, v1  }
0xcb: {  	v0 =	vmul.f32 v0, v49;
	_ =	sdelay $0x1  }
0xcc: {  	[tilespmem:s30+$0x0] =	vst v0  }
0xcd: {  	v0 =	vld [tilespmem:s21+$0x10]  }
0xce: {  	v50 =	vld [tilespmem:s18+$0x10]  }
0xcf: {  	v51 =	vld [tilespmem:s17+$0x10]  }
0xd0: {  	v52 =	vld [tilespmem:s16+$0x10]  }
0xd1: {  	v53 =	vld [tilespmem:s15+$0x10]  }
0xd2: {  	v54 =	vld [tilespmem:s2+$0x10];
	_ =	sdelay $0x2  }
0xd3: {  	v0 =	vsub.f32 v0, v50;
	v55 =	vsub.f32 v51, v52;
	_ =	sdelay $0x1  }
0xd4: {  	v56 =	vsub.f32 v53, v54;
	v0 =	vmul.f32 v0, v0;
	v1 =	vmul.f32 v55, v55;
	_ =	sdelay $0x1  }
0xd5: {  	v57 =	vmul.f32 v56, v56;
	v0 =	vadd.f32 v1, v0;
	_ =	sdelay $0x1  }
0xd6: {  	v0 =	vadd.f32 v57, v0;
	_ =	sdelay $0x1  }
0xd7: {  	v1 =	vshrl.u32 v0, $0x1;
	v58 =	vmul.f32 $5.000000000e-01, v0  }
0xd8: {  	v1 =	vsub.s32 $0x5F3759DF, v1  }
0xd9: {  	v59 =	vmul.f32 v1, v58;
	_ =	sdelay $0x1  }
0xda: {  	v3 =	vmul.f32 v1, v59;
	_ =	sdelay $0x1  }
0xdb: {  	v3 =	vsub.f32 $1.500000000e+00, v3;
	_ =	sdelay $0x1  }
0xdc: {  	v1 =	vmul.f32 v1, v3;
	_ =	sdelay $0x1  }
0xdd: {  	v3 =	vmul.f32 v1, v58;
	_ =	sdelay $0x1  }
0xde: {  	v3 =	vmul.f32 v3, v1;
	_ =	sdelay $0x1  }
0xdf: {  	v3 =	vsub.f32 $1.500000000e+00, v3;
	_ =	sdelay $0x1  }
0xe0: {  	v1 =	vmul.f32 v3, v1;
	_ =	sdelay $0x1  }
0xe1: {  	v2 =	vmul.f32 v1, v58;
	_ =	sdelay $0x1  }
0xe2: {  	v60 =	vld [tilespmem:s0+$0x10];
	v2 =	vmul.f32 v2, v1;
	_ =	sdelay $0x1  }
0xe3: {  	v2 =	vsub.f32 $1.500000000e+00, v2;
	_ =	sdelay $0x1  }
0xe4: {  	v1 =	vmul.f32 v2, v1  }
0xe5: {  	vm13 =	vlt.f32 v60, $0.0e+00;
	vm14 =	vgt.f32 v60, $0.0e+00  }
0xe6: {  	vm0 =	vmor vm14, vm13;
	vm15 =	vgt.f32 v0, $0.0e+00;
	v1 =	vmul.f32 v1, v0  }
0xe7: {  	vm0 =	vmand vm0, vm15  }
0xe8: {  	v61 =	vnsel vm0, $0x0, v1  }
0xe9: {  	v1 =	vmul.f32 $2.000000030e-01, v61;
	_ =	sdelay $0x1  }
0xea: {  	v1 =	vmul.f32 v1, v1;
	_ =	sdelay $0x1  }
0xeb: {  	v62 =	vmul.f32 $4.303069550e-06, v1;
	_ =	sdelay $0x1  }
0xec: {  	v2 =	vadd.f32 $-1.046381080e-04, v62;
	_ =	sdelay $0x1  }
0xed: {  	v2 =	vmul.f32 v2, v1;
	_ =	sdelay $0x1  }
0xee: {  	v2 =	vadd.f32 $1.929574300e-03, v2;
	_ =	sdelay $0x1  }
0xef: {  	v2 =	vmul.f32 v2, v1;
	_ =	sdelay $0x1  }
0xf0: {  	v2 =	vadd.f32 $-2.580689080e-02, v2;
	_ =	sdelay $0x1  }
0xf1: {  	v2 =	vmul.f32 v2, v1;
	_ =	sdelay $0x1  }
0xf2: {  	v2 =	vadd.f32 $2.353306260e-01, v2;
	_ =	sdelay $0x1  }
0xf3: {  	v2 =	vmul.f32 v2, v1;
	_ =	sdelay $0x1  }
0xf4: {  	v2 =	vadd.f32 $-1.335262780e+00, v2;
	_ =	sdelay $0x1  }
0xf5: {  	v2 =	vmul.f32 v2, v1;
	_ =	sdelay $0x1  }
0xf6: {  	v2 =	vadd.f32 $4.058712010e+00, v2;
	_ =	sdelay $0x1  }
0xf7: {  	v2 =	vmul.f32 v2, v1;
	_ =	sdelay $0x1  }
0xf8: {  	v2 =	vadd.f32 $-4.934802060e+00, v2;
	_ =	sdelay $0x1  }
0xf9: {  	v1 =	vmul.f32 v2, v1;
	_ =	sdelay $0x1  }
0xfa: {  	v1 =	vadd.f32 $1.000000000e+00, v1  }
0xfb: {  	[tilespmem:s31+$0x10] =	vst v61  }
0xfc: {  	v63 =	vld [tilespmem:s0+$0x10];
	v1 =	vadd.f32 $1.000000000e+00, v1  }
0xfd: {  	s29 =	sadd.s32 $0x4, s29  }
0xfe: {  	p0 =	slt.u32 s29, $0x1FC;
	v1 =	vmul.f32 $5.000000000e-01, v1  }
.Ltmp0:
0xff: {  	vm0 =	vlt.f32 v61, $5.000000000e+00;
	(pc) =	sbr.rel @p0 .LBB2_2-.Ltmp0, $4  }
0x100: {  	v0 =	vnsel vm0, $0x0, v1  }
0x101: {  	s2 =	sadd.s32 $0x40, s2;
	s15 =	sadd.s32 $0x40, s15;
	s16 =	sadd.s32 $0x40, s16;
	v0 =	vmul.f32 v0, v63  }
0x102: {  	s17 =	sadd.s32 $0x40, s17;
	s18 =	sadd.s32 $0x40, s18;
	s21 =	sadd.s32 $0x40, s21  }
0x103: {  	s31 =	sadd.s32 $0x40, s31;
	s0 =	sadd.s32 $0x40, s0;
	[tilespmem:s30+$0x10] =	vst v0;
	s30 =	sadd.s32 $0x40, s30  }
0x104: {  	[hbm4b:s11+s1] =	stream.linear.scatter [tilespmem:s25], [sflag:$0x4], $0x2000, $0x38;
	[tilespmem:$0x14000] =	vst v63  }
0x105: {  	s28 =	sadd.s32 $0x1, s28;
	_ =	swait.ge [sflag:s14], $0x2000  }
0x106: {  	p0 =	sne.s32 s28, s13;
	[sflag:s14] =	ssyncset.done $0x0  }
.Ltmp1:
0x107: {  	[sflag:s14] =	ssyncadd.s32 $0xFFFFE000;
	(pc) =	sbr.rel @p0 .LBB2_1-.Ltmp1, $4  }
0x108: {  	[hbm4b:s12+s1] =	stream.linear.scatter [tilespmem:s26], [sflag:$0x4], $0x2000, $0x38;
	[tilespmem:$0x14000] =	vst v63  }
0x109: {  	_ =	swait.ge [sflag:s14], $0x2000  }
0x10a: {  	[sflag:s14] =	ssyncset.done $0x0  }
0x10b: {  	[sflag:s14] =	ssyncadd.s32 $0xFFFFE000  }
0x10c: {  	_ =	sfence.sel $0x180000  }
0x10d: {  	[bflag:$0x0] =	sbarrier.arrive $0xFFFF  }
0x10e: {  	_ =	strace $0x90000047  }
0x10f: {  	s0 =	stileid.u32;
	[bflag:$0x2] =	sbarrier.arrive $0xFFFF  }
0x110: {  	p0 =	sne.s32 s0, $0x0;
	s0 =	rddreg [dreg:$0x2]  }
0x111: {  	s0 =	sadd.s32 @!p0 $0x100000, s0  }
0x112: {  	[sflag:s0] =	ssyncadd.tile.s32 @!p0 $0x1;
	_ =	shalt  }
.Lfunc_end2:
_tile_overlayer_lowered:
.L_overlay_start_2:
0x113: {  	(tag) =	ssettag $0x2  }
0x114: {  	s0 =	rddreg [dreg:$0x0];
	s2 =	stileid.u32  }
0x115: {  	s1 =	rddreg [dreg:$0x1];
	p0 =	sne.s32 s2, $0x0  }
0x116: {  	s3 =	rddreg [dreg:$0x2];
	[bflag:$0x3] =	sbarrier.arrive $0xFFFF;
	s2 =	simm.s32 @!p0 $0x1C04  }
0x117: {  	[timem:s3], [sflag:s2] =	dma.local @!p0 [hbm:s0], s1  }
0x118: {  	s0 =	simm.s32 @!p0 $0x4  }
0x119: {  	_ =	swait.ge @!p0 [sflag:s0], s1  }
0x11a: {  	s1 =	ssub.s32 @!p0 $0x0, s1;
	[sflag:s0] =	ssyncset.done @!p0 $0x0  }
0x11b: {  	[sflag:s0] =	ssyncadd.s32 @!p0 s1  }
0x11c: {  	[bflag:$0x3] =	sbarrier.arrive $0xFFFF  }
0x11d: {  	_ =	shalt  }

</sc_bundles>
